<compile_context>
chip_gen: v7x
topology: tpu7x:2x2x1
jax: 0.10.2.dev20260603
libtpu: 0.0.44.dev20260713+nightly
codegen_flags: <defaults>
</compile_context>

<pallas_src>
import functools

import jax
import jax.numpy as jnp
from jax import lax
from jax.experimental import pallas as pl
from jax.experimental.pallas import tpu as pltpu
from jax.experimental.pallas import tpu_sc as plsc

EMBED_DIM = 512
TIMESTEPS = 1000
TBL = 1024
BATCH = 16384

NC = 2
NS = 16
NW = NC * NS
BPW = BATCH // NW
CH = 128
NCHUNK = BPW // CH


def _mlp_table_body(enc_ref, w1_ref, b1_ref, w2_ref, b2_ref, out_ref):
    h = jnp.dot(enc_ref[...], w1_ref[...], preferred_element_type=jnp.float32)
    h = h + b1_ref[...]
    h = jnp.where(h >= 0, h, 0.01 * h)
    o = jnp.dot(h, w2_ref[...], preferred_element_type=jnp.float32)
    out_ref[pl.ds(0, TIMESTEPS), :] = o + b2_ref[...]


def _compute_table(encoding, W1, b1, W2, b2):
    return pl.pallas_call(
        _mlp_table_body,
        out_shape=jax.ShapeDtypeStruct((TBL, EMBED_DIM), jnp.float32),
    )(encoding, W1, b1.reshape(1, EMBED_DIM), W2, b2.reshape(1, EMBED_DIM))


def _gather_body(table_hbm, idx_hbm, out_hbm, idx_v, rows, gsem, wsem):
    s = lax.axis_index("s")
    wid = s * NC + lax.axis_index("c")
    base = wid * BPW
    pltpu.sync_copy(idx_hbm.at[wid], idx_v)
    wh = None
    for j in range(NCHUNK):
        if wh is not None:
            wh.wait()
        pltpu.async_copy(table_hbm.at[idx_v.at[j]], rows, gsem).wait()
        wh = pltpu.async_copy(rows, out_hbm.at[pl.ds(base + j * CH, CH)], wsem)
    wh.wait()


_gather = functools.partial(
    pl.kernel,
    out_type=jax.ShapeDtypeStruct((BATCH, EMBED_DIM), jnp.float32),
    mesh=plsc.VectorSubcoreMesh(core_axis_name="c", subcore_axis_name="s"),
    scratch_types=[
        pltpu.VMEM((NCHUNK, CH), jnp.int32),
        pltpu.VMEM((CH, EMBED_DIM), jnp.float32),
        pltpu.SemaphoreType.DMA,
        pltpu.SemaphoreType.DMA,
    ],
)(_gather_body)


def kernel(t, encoding, W1, b1, W2, b2):
    table = _compute_table(encoding, W1, b1, W2, b2)
    idx = t.astype(jnp.int32).reshape(NW, NCHUNK, CH)
    return _gather(table, idx)

# --- scband reference (transcript-rebuilt; emitter-appended) ---
"""Pipeline reference for scband-time-embedding-39943195853263 (READ-ONLY COPY).

The authoritative reference and input builder live on the scoring server;
editing this copy changes nothing except your own understanding.
"""

import jax, jax.numpy as jnp
import numpy as np

EMBED_DIM = 512
SCALING = 4
TIMESTEPS = 1000
BATCH = 16384


def _make_encoding(embed_dim, timesteps):
    enc = np.zeros((timesteps, embed_dim), dtype=np.float32)
    pos = np.arange(0, timesteps).reshape(-1, 1).astype(np.float32)
    idx = np.arange(0, embed_dim).astype(np.float32)
    enc[:, 0::2] = np.sin(pos / 10000 ** (idx[0::2] / embed_dim))
    enc[:, 1::2] = np.cos(pos / 10000 ** ((idx[1::2] - 1) / embed_dim))
    return jnp.asarray(enc)


def setup_inputs(seed: int = 0) -> dict:
    key = jax.random.key(seed)
    d_in = EMBED_DIM // SCALING
    k1, k2, k3 = jax.random.split(key, 3)
    t = jax.random.randint(k1, (BATCH,), 0, TIMESTEPS, dtype=jnp.int64 if jax.config.jax_enable_x64 else jnp.int32)
    encoding = _make_encoding(d_in, TIMESTEPS)
    W1 = jax.random.normal(k2, (d_in, EMBED_DIM), dtype=jnp.float32) * (1.0 / np.sqrt(d_in))
    b1 = jnp.zeros((EMBED_DIM,), dtype=jnp.float32)
    W2 = jax.random.normal(k3, (EMBED_DIM, EMBED_DIM), dtype=jnp.float32) * (1.0 / np.sqrt(EMBED_DIM))
    b2 = jnp.zeros((EMBED_DIM,), dtype=jnp.float32)
    return {"t": t, "encoding": encoding, "W1": W1, "b1": b1, "W2": W2, "b2": b2}


def reference(t, encoding, W1, b1, W2, b2):
    # embedding lookup: encoding[t]
    embeds = jnp.take(encoding, t, axis=0)
    # Linear -> LeakyReLU(0.01) -> Linear
    h = embeds @ W1 + b1
    h = jnp.where(h >= 0, h, 0.01 * h)
    out = h @ W2 + b2
    return out

if __name__ == "__main__":
    import jax
    _d = setup_inputs()
    print(jax.jit(kernel)(*tuple(_d.values())))

</pallas_src>

<mosaic_0001>
#map = affine_map<(d0, d1) -> (0, 0)>
#map1 = affine_map<(d0, d1) -> (0, 0, 0)>
module attributes {stable_mosaic.version = 14 : i64} {
  func.func @_gather_body(%arg0: i32, %arg1: i32, %arg2: memref<1024x512xf32, #tpu.memory_space<hbm>>, %arg3: memref<32x4x128xi32, #tpu.memory_space<hbm>>, %arg4: memref<16384x512xf32, #tpu.memory_space<hbm>>, %arg5: memref<4x128xi32, #tpu.memory_space<vmem>>, %arg6: memref<128x512xf32, #tpu.memory_space<vmem>>, %arg7: memref<!tpu.dma_semaphore, #tpu.memory_space<semaphore_mem>>, %arg8: memref<!tpu.dma_semaphore, #tpu.memory_space<semaphore_mem>>) attributes {dimension_semantics = [#tpu.dimension_semantics<core_parallel>, #tpu.dimension_semantics<subcore_parallel>], iteration_bounds = array<i64: 2, 16>, scalar_prefetch = 0 : i64, scratch_operands = 4 : i64, tpu.core_type = #tpu.core_type<sc_vector_subcore>, window_params = [{transform_indices = #map}, {transform_indices = #map1}, {transform_indices = #map}]} {
    %mul3A = arith.constant 2 : i32
    %mul3A_0 = arith.muli %arg1, %mul3A : i32
    %add3A = arith.addi %mul3A_0, %arg0 : i32
    %mul3A_1 = arith.constant 512 : i32
    %mul3A_2 = arith.muli %add3A, %mul3A_1 : i32
    "tpu.region"() ({
      %run_scoped3A = tpu.sem_alloc : memref<!tpu.dma_semaphore, #tpu.memory_space<semaphore_mem>>
      %dma_start3A_97 = arith.constant 0 : i32
      %dma_start3A_98 = arith.constant 0 : i32
      %dma_start3A_99 = tpu.memref_slice %arg3[%add3A, %dma_start3A_97, %dma_start3A_98] : memref<32x4x128xi32, #tpu.memory_space<hbm>> -> memref<1x4x128xi32, #tpu.memory_space<hbm>>
      %dma_start3A_100 = tpu.memref_squeeze %dma_start3A_99 : memref<1x4x128xi32, #tpu.memory_space<hbm>> -> memref<4x128xi32, #tpu.memory_space<hbm>>
      %dma_start3A_101 = arith.constant 0 : i32
      %dma_start3A_102 = arith.constant 0 : i32
      %dma_start3A_103 = tpu.memref_slice %arg3[%add3A, %dma_start3A_101, %dma_start3A_102] : memref<32x4x128xi32, #tpu.memory_space<hbm>> -> memref<1x4x128xi32, #tpu.memory_space<hbm>>
      %dma_start3A_104 = tpu.memref_squeeze %dma_start3A_103 : memref<1x4x128xi32, #tpu.memory_space<hbm>> -> memref<4x128xi32, #tpu.memory_space<hbm>>
      tpu.enqueue_dma source(%dma_start3A_104 : memref<4x128xi32, #tpu.memory_space<hbm>>) target(%arg5 : memref<4x128xi32, #tpu.memory_space<vmem>>) target_semaphore(%run_scoped3A : memref<!tpu.dma_semaphore, #tpu.memory_space<semaphore_mem>>)
      %dma_wait3A_105 = arith.constant 0 : i32
      %dma_wait3A_106 = arith.constant 0 : i32
      %dma_wait3A_107 = tpu.memref_slice %arg3[%add3A, %dma_wait3A_105, %dma_wait3A_106] : memref<32x4x128xi32, #tpu.memory_space<hbm>> -> memref<1x4x128xi32, #tpu.memory_space<hbm>>
      %dma_wait3A_108 = tpu.memref_squeeze %dma_wait3A_107 : memref<1x4x128xi32, #tpu.memory_space<hbm>> -> memref<4x128xi32, #tpu.memory_space<hbm>>
      %dma_wait3A_109 = arith.constant 0 : i32
      %dma_wait3A_110 = arith.constant 0 : i32
      %dma_wait3A_111 = tpu.memref_slice %arg3[%add3A, %dma_wait3A_109, %dma_wait3A_110] : memref<32x4x128xi32, #tpu.memory_space<hbm>> -> memref<1x4x128xi32, #tpu.memory_space<hbm>>
      %dma_wait3A_112 = tpu.memref_squeeze %dma_wait3A_111 : memref<1x4x128xi32, #tpu.memory_space<hbm>> -> memref<4x128xi32, #tpu.memory_space<hbm>>
      tpu.wait_dma2 semaphore(%run_scoped3A : memref<!tpu.dma_semaphore, #tpu.memory_space<semaphore_mem>>) src(%dma_wait3A_112 : memref<4x128xi32, #tpu.memory_space<hbm>>) dst(%arg5 : memref<4x128xi32, #tpu.memory_space<vmem>>)
      tpu.yield
    }) : () -> ()
    %dma_start3A = arith.constant 0 : i32
    %dma_start3A_3 = arith.constant 0 : i32
    %dma_start3A_4 = tpu.memref_slice %arg5[%dma_start3A, %dma_start3A_3] : memref<4x128xi32, #tpu.memory_space<vmem>> -> memref<1x128xi32, #tpu.memory_space<vmem>>
    %dma_start3A_5 = tpu.memref_squeeze %dma_start3A_4 : memref<1x128xi32, #tpu.memory_space<vmem>> -> memref<128xi32, #tpu.memory_space<vmem>>
    %dma_start3A_6 = arith.constant 0 : i32
    %dma_start3A_7 = arith.constant 0 : i32
    %dma_start3A_8 = tpu.memref_slice %arg2[%dma_start3A_6, %dma_start3A_7] : memref<1024x512xf32, #tpu.memory_space<hbm>> -> memref<1024x512xf32, #tpu.memory_space<hbm>>
    tpu.enqueue_indirect_dma source(%dma_start3A_8 : memref<1024x512xf32, #tpu.memory_space<hbm>>) target(%arg6 : memref<128x512xf32, #tpu.memory_space<vmem>>) offsets(%dma_start3A_5 : memref<128xi32, #tpu.memory_space<vmem>>) semaphore(%arg7 : memref<!tpu.dma_semaphore, #tpu.memory_space<semaphore_mem>>)
    %dma_wait3A = arith.constant 0 : i32
    %dma_wait3A_9 = arith.constant 0 : i32
    %dma_wait3A_10 = tpu.memref_slice %arg5[%dma_wait3A, %dma_wait3A_9] : memref<4x128xi32, #tpu.memory_space<vmem>> -> memref<1x128xi32, #tpu.memory_space<vmem>>
    %dma_wait3A_11 = tpu.memref_squeeze %dma_wait3A_10 : memref<1x128xi32, #tpu.memory_space<vmem>> -> memref<128xi32, #tpu.memory_space<vmem>>
    %dma_wait3A_12 = arith.constant 0 : i32
    %dma_wait3A_13 = arith.constant 0 : i32
    %dma_wait3A_14 = tpu.memref_slice %arg2[%dma_wait3A_12, %dma_wait3A_13] : memref<1024x512xf32, #tpu.memory_space<hbm>> -> memref<1024x512xf32, #tpu.memory_space<hbm>>
    tpu.wait_indirect_dma semaphore(%arg7 : memref<!tpu.dma_semaphore, #tpu.memory_space<semaphore_mem>>) src(%dma_wait3A_14 : memref<1024x512xf32, #tpu.memory_space<hbm>>) dst(%arg6 : memref<128x512xf32, #tpu.memory_space<vmem>>)
    %add3A_15 = arith.constant 0 : i32
    %add3A_16 = arith.addi %mul3A_2, %add3A_15 : i32
    %dma_start3A_17 = arith.constant 0 : i32
    %dma_start3A_18 = tpu.memref_slice %arg4[%add3A_16, %dma_start3A_17] : memref<16384x512xf32, #tpu.memory_space<hbm>> -> memref<128x512xf32, #tpu.memory_space<hbm>>
    %dma_start3A_19 = arith.constant 0 : i32
    %dma_start3A_20 = tpu.memref_slice %arg4[%add3A_16, %dma_start3A_19] : memref<16384x512xf32, #tpu.memory_space<hbm>> -> memref<128x512xf32, #tpu.memory_space<hbm>>
    tpu.enqueue_dma source(%arg6 : memref<128x512xf32, #tpu.memory_space<vmem>>) target(%dma_start3A_20 : memref<128x512xf32, #tpu.memory_space<hbm>>) target_semaphore(%arg8 : memref<!tpu.dma_semaphore, #tpu.memory_space<semaphore_mem>>)
    %dma_wait3A_21 = arith.constant 0 : i32
    %dma_wait3A_22 = tpu.memref_slice %arg4[%add3A_16, %dma_wait3A_21] : memref<16384x512xf32, #tpu.memory_space<hbm>> -> memref<128x512xf32, #tpu.memory_space<hbm>>
    %dma_wait3A_23 = arith.constant 0 : i32
    %dma_wait3A_24 = tpu.memref_slice %arg4[%add3A_16, %dma_wait3A_23] : memref<16384x512xf32, #tpu.memory_space<hbm>> -> memref<128x512xf32, #tpu.memory_space<hbm>>
    tpu.wait_dma2 semaphore(%arg8 : memref<!tpu.dma_semaphore, #tpu.memory_space<semaphore_mem>>) src(%arg6 : memref<128x512xf32, #tpu.memory_space<vmem>>) dst(%dma_wait3A_24 : memref<128x512xf32, #tpu.memory_space<hbm>>)
    %dma_start3A_25 = arith.constant 1 : i32
    %dma_start3A_26 = arith.constant 0 : i32
    %dma_start3A_27 = tpu.memref_slice %arg5[%dma_start3A_25, %dma_start3A_26] : memref<4x128xi32, #tpu.memory_space<vmem>> -> memref<1x128xi32, #tpu.memory_space<vmem>>
    %dma_start3A_28 = tpu.memref_squeeze %dma_start3A_27 : memref<1x128xi32, #tpu.memory_space<vmem>> -> memref<128xi32, #tpu.memory_space<vmem>>
    %dma_start3A_29 = arith.constant 0 : i32
    %dma_start3A_30 = arith.constant 0 : i32
    %dma_start3A_31 = tpu.memref_slice %arg2[%dma_start3A_29, %dma_start3A_30] : memref<1024x512xf32, #tpu.memory_space<hbm>> -> memref<1024x512xf32, #tpu.memory_space<hbm>>
    tpu.enqueue_indirect_dma source(%dma_start3A_31 : memref<1024x512xf32, #tpu.memory_space<hbm>>) target(%arg6 : memref<128x512xf32, #tpu.memory_space<vmem>>) offsets(%dma_start3A_28 : memref<128xi32, #tpu.memory_space<vmem>>) semaphore(%arg7 : memref<!tpu.dma_semaphore, #tpu.memory_space<semaphore_mem>>)
    %dma_wait3A_32 = arith.constant 1 : i32
    %dma_wait3A_33 = arith.constant 0 : i32
    %dma_wait3A_34 = tpu.memref_slice %arg5[%dma_wait3A_32, %dma_wait3A_33] : memref<4x128xi32, #tpu.memory_space<vmem>> -> memref<1x128xi32, #tpu.memory_space<vmem>>
    %dma_wait3A_35 = tpu.memref_squeeze %dma_wait3A_34 : memref<1x128xi32, #tpu.memory_space<vmem>> -> memref<128xi32, #tpu.memory_space<vmem>>
    %dma_wait3A_36 = arith.constant 0 : i32
    %dma_wait3A_37 = arith.constant 0 : i32
    %dma_wait3A_38 = tpu.memref_slice %arg2[%dma_wait3A_36, %dma_wait3A_37] : memref<1024x512xf32, #tpu.memory_space<hbm>> -> memref<1024x512xf32, #tpu.memory_space<hbm>>
    tpu.wait_indirect_dma semaphore(%arg7 : memref<!tpu.dma_semaphore, #tpu.memory_space<semaphore_mem>>) src(%dma_wait3A_38 : memref<1024x512xf32, #tpu.memory_space<hbm>>) dst(%arg6 : memref<128x512xf32, #tpu.memory_space<vmem>>)
    %add3A_39 = arith.constant 128 : i32
    %add3A_40 = arith.addi %mul3A_2, %add3A_39 : i32
    %dma_start3A_41 = arith.constant 0 : i32
    %dma_start3A_42 = tpu.memref_slice %arg4[%add3A_40, %dma_start3A_41] : memref<16384x512xf32, #tpu.memory_space<hbm>> -> memref<128x512xf32, #tpu.memory_space<hbm>>
    %dma_start3A_43 = arith.constant 0 : i32
    %dma_start3A_44 = tpu.memref_slice %arg4[%add3A_40, %dma_start3A_43] : memref<16384x512xf32, #tpu.memory_space<hbm>> -> memref<128x512xf32, #tpu.memory_space<hbm>>
    tpu.enqueue_dma source(%arg6 : memref<128x512xf32, #tpu.memory_space<vmem>>) target(%dma_start3A_44 : memref<128x512xf32, #tpu.memory_space<hbm>>) target_semaphore(%arg8 : memref<!tpu.dma_semaphore, #tpu.memory_space<semaphore_mem>>)
    %dma_wait3A_45 = arith.constant 0 : i32
    %dma_wait3A_46 = tpu.memref_slice %arg4[%add3A_40, %dma_wait3A_45] : memref<16384x512xf32, #tpu.memory_space<hbm>> -> memref<128x512xf32, #tpu.memory_space<hbm>>
    %dma_wait3A_47 = arith.constant 0 : i32
    %dma_wait3A_48 = tpu.memref_slice %arg4[%add3A_40, %dma_wait3A_47] : memref<16384x512xf32, #tpu.memory_space<hbm>> -> memref<128x512xf32, #tpu.memory_space<hbm>>
    tpu.wait_dma2 semaphore(%arg8 : memref<!tpu.dma_semaphore, #tpu.memory_space<semaphore_mem>>) src(%arg6 : memref<128x512xf32, #tpu.memory_space<vmem>>) dst(%dma_wait3A_48 : memref<128x512xf32, #tpu.memory_space<hbm>>)
    %dma_start3A_49 = arith.constant 2 : i32
    %dma_start3A_50 = arith.constant 0 : i32
    %dma_start3A_51 = tpu.memref_slice %arg5[%dma_start3A_49, %dma_start3A_50] : memref<4x128xi32, #tpu.memory_space<vmem>> -> memref<1x128xi32, #tpu.memory_space<vmem>>
    %dma_start3A_52 = tpu.memref_squeeze %dma_start3A_51 : memref<1x128xi32, #tpu.memory_space<vmem>> -> memref<128xi32, #tpu.memory_space<vmem>>
    %dma_start3A_53 = arith.constant 0 : i32
    %dma_start3A_54 = arith.constant 0 : i32
    %dma_start3A_55 = tpu.memref_slice %arg2[%dma_start3A_53, %dma_start3A_54] : memref<1024x512xf32, #tpu.memory_space<hbm>> -> memref<1024x512xf32, #tpu.memory_space<hbm>>
    tpu.enqueue_indirect_dma source(%dma_start3A_55 : memref<1024x512xf32, #tpu.memory_space<hbm>>) target(%arg6 : memref<128x512xf32, #tpu.memory_space<vmem>>) offsets(%dma_start3A_52 : memref<128xi32, #tpu.memory_space<vmem>>) semaphore(%arg7 : memref<!tpu.dma_semaphore, #tpu.memory_space<semaphore_mem>>)
    %dma_wait3A_56 = arith.constant 2 : i32
    %dma_wait3A_57 = arith.constant 0 : i32
    %dma_wait3A_58 = tpu.memref_slice %arg5[%dma_wait3A_56, %dma_wait3A_57] : memref<4x128xi32, #tpu.memory_space<vmem>> -> memref<1x128xi32, #tpu.memory_space<vmem>>
    %dma_wait3A_59 = tpu.memref_squeeze %dma_wait3A_58 : memref<1x128xi32, #tpu.memory_space<vmem>> -> memref<128xi32, #tpu.memory_space<vmem>>
    %dma_wait3A_60 = arith.constant 0 : i32
    %dma_wait3A_61 = arith.constant 0 : i32
    %dma_wait3A_62 = tpu.memref_slice %arg2[%dma_wait3A_60, %dma_wait3A_61] : memref<1024x512xf32, #tpu.memory_space<hbm>> -> memref<1024x512xf32, #tpu.memory_space<hbm>>
    tpu.wait_indirect_dma semaphore(%arg7 : memref<!tpu.dma_semaphore, #tpu.memory_space<semaphore_mem>>) src(%dma_wait3A_62 : memref<1024x512xf32, #tpu.memory_space<hbm>>) dst(%arg6 : memref<128x512xf32, #tpu.memory_space<vmem>>)
    %add3A_63 = arith.constant 256 : i32
    %add3A_64 = arith.addi %mul3A_2, %add3A_63 : i32
    %dma_start3A_65 = arith.constant 0 : i32
    %dma_start3A_66 = tpu.memref_slice %arg4[%add3A_64, %dma_start3A_65] : memref<16384x512xf32, #tpu.memory_space<hbm>> -> memref<128x512xf32, #tpu.memory_space<hbm>>
    %dma_start3A_67 = arith.constant 0 : i32
    %dma_start3A_68 = tpu.memref_slice %arg4[%add3A_64, %dma_start3A_67] : memref<16384x512xf32, #tpu.memory_space<hbm>> -> memref<128x512xf32, #tpu.memory_space<hbm>>
    tpu.enqueue_dma source(%arg6 : memref<128x512xf32, #tpu.memory_space<vmem>>) target(%dma_start3A_68 : memref<128x512xf32, #tpu.memory_space<hbm>>) target_semaphore(%arg8 : memref<!tpu.dma_semaphore, #tpu.memory_space<semaphore_mem>>)
    %dma_wait3A_69 = arith.constant 0 : i32
    %dma_wait3A_70 = tpu.memref_slice %arg4[%add3A_64, %dma_wait3A_69] : memref<16384x512xf32, #tpu.memory_space<hbm>> -> memref<128x512xf32, #tpu.memory_space<hbm>>
    %dma_wait3A_71 = arith.constant 0 : i32
    %dma_wait3A_72 = tpu.memref_slice %arg4[%add3A_64, %dma_wait3A_71] : memref<16384x512xf32, #tpu.memory_space<hbm>> -> memref<128x512xf32, #tpu.memory_space<hbm>>
    tpu.wait_dma2 semaphore(%arg8 : memref<!tpu.dma_semaphore, #tpu.memory_space<semaphore_mem>>) src(%arg6 : memref<128x512xf32, #tpu.memory_space<vmem>>) dst(%dma_wait3A_72 : memref<128x512xf32, #tpu.memory_space<hbm>>)
    %dma_start3A_73 = arith.constant 3 : i32
    %dma_start3A_74 = arith.constant 0 : i32
    %dma_start3A_75 = tpu.memref_slice %arg5[%dma_start3A_73, %dma_start3A_74] : memref<4x128xi32, #tpu.memory_space<vmem>> -> memref<1x128xi32, #tpu.memory_space<vmem>>
    %dma_start3A_76 = tpu.memref_squeeze %dma_start3A_75 : memref<1x128xi32, #tpu.memory_space<vmem>> -> memref<128xi32, #tpu.memory_space<vmem>>
    %dma_start3A_77 = arith.constant 0 : i32
    %dma_start3A_78 = arith.constant 0 : i32
    %dma_start3A_79 = tpu.memref_slice %arg2[%dma_start3A_77, %dma_start3A_78] : memref<1024x512xf32, #tpu.memory_space<hbm>> -> memref<1024x512xf32, #tpu.memory_space<hbm>>
    tpu.enqueue_indirect_dma source(%dma_start3A_79 : memref<1024x512xf32, #tpu.memory_space<hbm>>) target(%arg6 : memref<128x512xf32, #tpu.memory_space<vmem>>) offsets(%dma_start3A_76 : memref<128xi32, #tpu.memory_space<vmem>>) semaphore(%arg7 : memref<!tpu.dma_semaphore, #tpu.memory_space<semaphore_mem>>)
    %dma_wait3A_80 = arith.constant 3 : i32
    %dma_wait3A_81 = arith.constant 0 : i32
    %dma_wait3A_82 = tpu.memref_slice %arg5[%dma_wait3A_80, %dma_wait3A_81] : memref<4x128xi32, #tpu.memory_space<vmem>> -> memref<1x128xi32, #tpu.memory_space<vmem>>
    %dma_wait3A_83 = tpu.memref_squeeze %dma_wait3A_82 : memref<1x128xi32, #tpu.memory_space<vmem>> -> memref<128xi32, #tpu.memory_space<vmem>>
    %dma_wait3A_84 = arith.constant 0 : i32
    %dma_wait3A_85 = arith.constant 0 : i32
    %dma_wait3A_86 = tpu.memref_slice %arg2[%dma_wait3A_84, %dma_wait3A_85] : memref<1024x512xf32, #tpu.memory_space<hbm>> -> memref<1024x512xf32, #tpu.memory_space<hbm>>
    tpu.wait_indirect_dma semaphore(%arg7 : memref<!tpu.dma_semaphore, #tpu.memory_space<semaphore_mem>>) src(%dma_wait3A_86 : memref<1024x512xf32, #tpu.memory_space<hbm>>) dst(%arg6 : memref<128x512xf32, #tpu.memory_space<vmem>>)
    %add3A_87 = arith.constant 384 : i32
    %add3A_88 = arith.addi %mul3A_2, %add3A_87 : i32
    %dma_start3A_89 = arith.constant 0 : i32
    %dma_start3A_90 = tpu.memref_slice %arg4[%add3A_88, %dma_start3A_89] : memref<16384x512xf32, #tpu.memory_space<hbm>> -> memref<128x512xf32, #tpu.memory_space<hbm>>
    %dma_start3A_91 = arith.constant 0 : i32
    %dma_start3A_92 = tpu.memref_slice %arg4[%add3A_88, %dma_start3A_91] : memref<16384x512xf32, #tpu.memory_space<hbm>> -> memref<128x512xf32, #tpu.memory_space<hbm>>
    tpu.enqueue_dma source(%arg6 : memref<128x512xf32, #tpu.memory_space<vmem>>) target(%dma_start3A_92 : memref<128x512xf32, #tpu.memory_space<hbm>>) target_semaphore(%arg8 : memref<!tpu.dma_semaphore, #tpu.memory_space<semaphore_mem>>)
    %dma_wait3A_93 = arith.constant 0 : i32
    %dma_wait3A_94 = tpu.memref_slice %arg4[%add3A_88, %dma_wait3A_93] : memref<16384x512xf32, #tpu.memory_space<hbm>> -> memref<128x512xf32, #tpu.memory_space<hbm>>
    %dma_wait3A_95 = arith.constant 0 : i32
    %dma_wait3A_96 = tpu.memref_slice %arg4[%add3A_88, %dma_wait3A_95] : memref<16384x512xf32, #tpu.memory_space<hbm>> -> memref<128x512xf32, #tpu.memory_space<hbm>>
    tpu.wait_dma2 semaphore(%arg8 : memref<!tpu.dma_semaphore, #tpu.memory_space<semaphore_mem>>) src(%arg6 : memref<128x512xf32, #tpu.memory_space<vmem>>) dst(%dma_wait3A_96 : memref<128x512xf32, #tpu.memory_space<hbm>>)
    return
  }
}

module attributes {stable_mosaic.version = 14 : i64} {
  func.func @_mlp_table_body(%arg0: memref<1000x128xf32, #tpu.memory_space<vmem>>, %arg1: memref<128x512xf32, #tpu.memory_space<vmem>>, %arg2: memref<1x512xf32, #tpu.memory_space<vmem>>, %arg3: memref<512x512xf32, #tpu.memory_space<vmem>>, %arg4: memref<1x512xf32, #tpu.memory_space<vmem>>, %arg5: memref<1024x512xf32, #tpu.memory_space<vmem>>) attributes {dimension_semantics = [], scalar_prefetch = 0 : i64, scratch_operands = 0 : i64, tpu.core_type = #tpu.core_type<tc>} {
    %get3A = arith.constant 0 : index
    %get3A_0 = arith.constant 0 : index
    %get3A_1 = vector.load %arg0[%get3A, %get3A_0] : memref<1000x128xf32, #tpu.memory_space<vmem>>, vector<1000x128xf32>
    %get3A_2 = arith.constant 0 : index
    %get3A_3 = arith.constant 0 : index
    %get3A_4 = vector.load %arg1[%get3A_2, %get3A_3] : memref<128x512xf32, #tpu.memory_space<vmem>>, vector<128x512xf32>
    %dot_general3A = arith.constant dense<0.000000e+00> : vector<1000x512xf32>
    %dot_general3A_5 = tpu.matmul %get3A_1, %get3A_4, %dot_general3A {dimension_numbers = #tpu.dot_dimension_numbers<[1], [0], [0], [1], [0, 0, 1, 1], [], []>, transpose_lhs_hint = false} : vector<1000x128xf32>, vector<128x512xf32>, vector<1000x512xf32> -> vector<1000x512xf32>
    %get3A_6 = arith.constant 0 : index
    %get3A_7 = arith.constant 0 : index
    %get3A_8 = vector.load %arg2[%get3A_6, %get3A_7] : memref<1x512xf32, #tpu.memory_space<vmem>>, vector<1x512xf32>
    %add3A = vector.broadcast %get3A_8 : vector<1x512xf32> to vector<1000x512xf32>
    %add3A_9 = arith.addf %dot_general3A_5, %add3A : vector<1000x512xf32>
    %ge3A = arith.constant 0.000000e+00 : f32
    %ge3A_10 = vector.broadcast %ge3A : f32 to vector<1000x512xf32>
    %ge3A_11 = arith.cmpf oge, %add3A_9, %ge3A_10 : vector<1000x512xf32>
    %mul3A = arith.constant 0.00999999977 : f32
    %mul3A_12 = vector.broadcast %mul3A : f32 to vector<1000x512xf32>
    %mul3A_13 = arith.mulf %mul3A_12, %add3A_9 : vector<1000x512xf32>
    %select_n3A = arith.select %ge3A_11, %add3A_9, %mul3A_13 : vector<1000x512xi1>, vector<1000x512xf32>
    %get3A_14 = arith.constant 0 : index
    %get3A_15 = arith.constant 0 : index
    %get3A_16 = vector.load %arg3[%get3A_14, %get3A_15] : memref<512x512xf32, #tpu.memory_space<vmem>>, vector<512x512xf32>
    %dot_general3A_17 = arith.constant dense<0.000000e+00> : vector<1000x512xf32>
    %dot_general3A_18 = tpu.matmul %select_n3A, %get3A_16, %dot_general3A_17 {dimension_numbers = #tpu.dot_dimension_numbers<[1], [0], [0], [1], [0, 0, 1, 1], [], []>, transpose_lhs_hint = false} : vector<1000x512xf32>, vector<512x512xf32>, vector<1000x512xf32> -> vector<1000x512xf32>
    %get3A_19 = arith.constant 0 : index
    %get3A_20 = arith.constant 0 : index
    %get3A_21 = vector.load %arg4[%get3A_19, %get3A_20] : memref<1x512xf32, #tpu.memory_space<vmem>>, vector<1x512xf32>
    %add3A_22 = vector.broadcast %get3A_21 : vector<1x512xf32> to vector<1000x512xf32>
    %add3A_23 = arith.addf %dot_general3A_18, %add3A_22 : vector<1000x512xf32>
    %swap3A = arith.constant 0 : index
    %swap3A_24 = arith.constant 0 : index
    %swap3A_25 = vector.load %arg5[%swap3A, %swap3A_24] : memref<1024x512xf32, #tpu.memory_space<vmem>>, vector<1000x512xf32>
    tpu.vector_store %arg5[%swap3A, %swap3A_24], %add3A_23 {strides = array<i32>} : memref<1024x512xf32, #tpu.memory_space<vmem>>, vector<1000x512xf32>,
    return
  }
}

</mosaic_0001>

<sc_bundles>
// kernel: kernel.4.cloned.1.call-start
scs
__scs_entry_jumppad:
0x0: {  	(pc) =	sbr.rel $0x88, $3  }
0x1: {  	(tag) =	ssettag $0x0;
	lr =	simm.s32 $0x1  }
0x2: {  	[smem:$0x3F9B] =	sst lr;
	_ =	strace $0xD0000000  }
0x3: {  	_ = 	snop  }
0x4: {  	_ = 	snop  }
0x5: {  	_ = 	snop  }
0x6: {  	_ = 	snop  }
0x7: {  	_ = 	snop  }
__scs_overlays_trampoline_lowered:
0x8: {  	[smem:$0x3FAA] =	sst s0  }
0x9: {  	[smem:$0x3FAB] =	sst s1  }
0xa: {  	[smem:$0x3FAC] =	sst s2  }
0xb: {  	[smem:$0x3FAD] =	sst s3  }
0xc: {  	[smem:$0x3FAE] =	sst s4  }
0xd: {  	[smem:$0x3FAF] =	sst s5  }
0xe: {  	[smem:$0x3FB0] =	sst s6  }
0xf: {  	[smem:$0x3FB1] =	sst s7  }
0x10: {  	[smem:$0x3FB2] =	sst s8  }
0x11: {  	[smem:$0x3FB3] =	sst s9;
	s0 =	simm.s32 @!p0 $0x0  }
0x12: {  	s1 =	sld [smem:$0x3F99];
	s0 =	simm.s32 @p0 $0x1  }
0x13: {  	[smem:$0x3FB4] =	sst s0;
	s0 =	simm.s32 @!p1 $0x0  }
0x14: {  	s2 =	sld [smem:$0x3F98];
	s0 =	simm.s32 @p1 $0x1  }
0x15: {  	[smem:$0x3FB5] =	sst s0;
	s0 =	simm.s32 @!p2 $0x0  }
0x16: {  	s3 =	sld [smem:$0x3FDB];
	s0 =	simm.s32 @p2 $0x1  }
0x17: {  	s4 =	simm.s32 $0x1BF5;
	[smem:$0x3FB7] =	sst s0  }
0x18: {  	s0 =	sld [smem:$0x3F9A];
	_ =	swait.ge [sflag:s4], $0x0  }
0x19: {  	s7 =	sld [smem:$0x3F9B]  }
0x1a: {  	s8 =	sadd.s32 $0xFFFFE003, lr  }
0x1b: {  	s9 =	sadd.s32 $0xFFFFFEF7, lr;
	s5 =	simm.s32 $0xFFFFFFFF;
	p2 =	slt.u32 s8, $0xFFFFF086  }
0x1c: {  	p1 =	slt.u32 s9, $0xF7A;
	s5 =	simm.s32 @!p2 $0x0  }
0x1d: {  	s5 =	simm.s32 @p1 $0x1;
	p0 =	seq.s32 s7, s2  }
0x1e: {  	s7 =	smul.u32 @!p0 $0xF7A, s2;
	p2 =	seq.s32 @!p0 s5, $0x0  }
0x1f: {  	s9 =	smul.u32 $0xF7A, s1;
	s8 =	simm.s32 @!p0 $0x1BF5;
	p2 =	por !p2, p0  }
0x20: {  	[sflag:s8] =	ssyncset.s32 @!p0 $0xFFFFF086;
	s6 =	sadd.s32 @!p0 s3, s7;
	s7 =	simm.s32 @!p0 $0x108  }
0x21: {  	s3 =	sadd.s32 s3, s9;
	s6 =	sadd.s32 @!p0 $0x88, s6;
	s7 =	simm.s32 @p2 $0x1082  }
0x22: {  	[simem:s7], [sflag:s8] =	dma.local @!p0 [hbm:s6], $0xF7A  }
0x23: {  	s9 =	sor.u32 $0xD0000000, s2;
	s6 =	simm.s32 $0x108;
	_ =	swait.ge @!p0 [sflag:s8], $0x0  }
0x24: {  	s3 =	sadd.s32 $0x88, s3;
	s6 =	simm.s32 @!p1 $0x1082;
	[sflag:s4] =	ssyncset.s32 $0xFFFFF086  }
0x25: {  	[simem:s6], [sflag:s4] =	dma.local [hbm:s3], $0xF7A  }
0x26: {  	[smem:$0x3F9B] =	sst s1;
	(tag) =	ssettag s2;
	_ =	strace s9  }
0x27: {  	s1 =	sld [smem:$0x3FAB]  }
0x28: {  	s2 =	sld [smem:$0x3FAC]  }
0x29: {  	s4 =	sld [smem:$0x3FAE]  }
0x2a: {  	p0 =	seq.s32 s5, $0x0;
	s5 =	sld [smem:$0x3FAF]  }
0x2b: {  	s6 =	sld [smem:$0x3FB0]  }
0x2c: {  	s7 =	sld [smem:$0x3FB1]  }
0x2d: {  	s3 =	simm.s32 $0x108;
	s8 =	sld [smem:$0x3FB2]  }
0x2e: {  	s3 =	simm.s32 @!p0 $0x1082;
	s9 =	sld [smem:$0x3FB3]  }
0x2f: {  	lr =	sadd.s32 s0, s3;
	s0 =	sld [smem:$0x3FAA]  }
0x30: {  	s3 =	sld [smem:$0x3FAD]  }
0x31: {  	[smem:$0x3FB6] =	sst s10  }
0x32: {  	s10 =	sld [smem:$0x3FB4];
	_ =	sdelay $0x3  }
0x33: {  	p0 =	seq.s32 s10, $0x1;
	s10 =	sld [smem:$0x3FB6];
	_ =	sdelay $0x3  }
0x34: {  	[smem:$0x3FB6] =	sst s10  }
0x35: {  	s10 =	sld [smem:$0x3FB5];
	_ =	sdelay $0x3  }
0x36: {  	p1 =	seq.s32 s10, $0x1;
	s10 =	sld [smem:$0x3FB6];
	_ =	sdelay $0x3  }
0x37: {  	[smem:$0x3FB6] =	sst s10  }
0x38: {  	s10 =	sld [smem:$0x3FB7]  }
0x39: {  	_ = 	snop;
	(pc) =	sbr.ind lr, $3  }
0x3a: {  	_ = 	snop  }
0x3b: {  	_ = 	snop  }
0x3c: {  	p2 =	seq.s32 s10, $0x1;
	s10 =	sld [smem:$0x3FB6]  }
0x3d: {  	_ =	shalt  }
0x3e: {  	_ =	shalt  }
0x3f: {  	_ =	shalt  }
0x40: {  	_ =	shalt  }
0x41: {  	_ =	shalt  }
0x42: {  	_ =	shalt  }
0x43: {  	_ =	shalt  }
0x44: {  	_ =	shalt  }
0x45: {  	_ =	shalt  }
0x46: {  	_ =	shalt  }
0x47: {  	_ =	shalt  }
0x48: {  	_ =	shalt  }
0x49: {  	_ =	shalt  }
0x4a: {  	_ =	shalt  }
0x4b: {  	_ =	shalt  }
0x4c: {  	_ =	shalt  }
0x4d: {  	_ =	shalt  }
0x4e: {  	_ =	shalt  }
0x4f: {  	_ =	shalt  }
0x50: {  	_ =	shalt  }
0x51: {  	_ =	shalt  }
0x52: {  	_ =	shalt  }
0x53: {  	_ =	shalt  }
0x54: {  	_ =	shalt  }
0x55: {  	_ =	shalt  }
0x56: {  	_ =	shalt  }
0x57: {  	_ =	shalt  }
0x58: {  	_ =	shalt  }
0x59: {  	_ =	shalt  }
0x5a: {  	_ =	shalt  }
0x5b: {  	_ =	shalt  }
0x5c: {  	_ =	shalt  }
0x5d: {  	_ =	shalt  }
0x5e: {  	_ =	shalt  }
0x5f: {  	_ =	shalt  }
0x60: {  	_ =	shalt  }
0x61: {  	_ =	shalt  }
0x62: {  	_ =	shalt  }
0x63: {  	_ =	shalt  }
0x64: {  	_ =	shalt  }
0x65: {  	_ =	shalt  }
0x66: {  	_ =	shalt  }
0x67: {  	_ =	shalt  }
0x68: {  	_ =	shalt  }
0x69: {  	_ =	shalt  }
0x6a: {  	_ =	shalt  }
0x6b: {  	_ =	shalt  }
0x6c: {  	_ =	shalt  }
0x6d: {  	_ =	shalt  }
0x6e: {  	_ =	shalt  }
0x6f: {  	_ =	shalt  }
0x70: {  	_ =	shalt  }
0x71: {  	_ =	shalt  }
0x72: {  	_ =	shalt  }
0x73: {  	_ =	shalt  }
0x74: {  	_ =	shalt  }
0x75: {  	_ =	shalt  }
0x76: {  	_ =	shalt  }
0x77: {  	_ =	shalt  }
0x78: {  	_ =	shalt  }
0x79: {  	_ =	shalt  }
0x7a: {  	_ =	shalt  }
0x7b: {  	_ =	shalt  }
0x7c: {  	_ =	shalt  }
0x7d: {  	_ =	shalt  }
0x7e: {  	_ =	shalt  }
0x7f: {  	_ =	shalt  }
0x80: {  	_ =	shalt  }
0x81: {  	_ =	shalt  }
0x82: {  	_ =	shalt  }
0x83: {  	_ =	shalt  }
0x84: {  	_ =	shalt  }
0x85: {  	_ =	shalt  }
0x86: {  	_ =	shalt  }
0x87: {  	_ =	shalt  }
.Lfunc_end0:
.L_simem_size_0:
called_computation_lowered:
.L_overlay_start_0:
0x88: {  	s2 =	sld [smem:$0x3FD9]  }
0x89: {  	s3 =	sld [smem:$0x3FFE];
	_ =	sdelay $0x1  }
0x8a: {  	s1 =	srdreg.scid  }
0x8b: {  	s0 =	sand.u32 $0x1, s1  }
0x8c: {  	s17 =	sshll.u32 s0, $0xA;
	s2 =	sadd.s32 s3, s2  }
0x8d: {  	s2 =	sadd.s32 s2, s17  }
0x8e: {  	[smem:$0x3FC2] =	sst s2  }
0x8f: {  	_ = 	snop  }
0x90: {  	s2 =	sld [smem:$0x3FC9]  }
0x91: {  	s18 =	sld [smem:$0x3FD0];
	(tm) =	ssettm $0x1  }
0x92: {  	s4 =	sld [smem:$0x3FFB];
	_ =	sdelay $0x3  }
0x93: {  	_ =	strace s4  }
0x94: {  	s4 =	sld [smem:$0x3FFC];
	_ =	sdelay $0x3  }
0x95: {  	_ =	strace s4  }
0x96: {  	s4 =	sld [smem:$0x3FFD];
	_ =	sdelay $0x3  }
0x97: {  	_ =	strace s4  }
0x98: {  	_ =	strace $0x8FFFFFFF  }
0x99: {  	s19 =	sld [smem:$0x3FDB];
	_ =	sdelay $0x1  }
0x9a: {  	s5 =	simm.s32 $_scs_section_size  }
0x9b: {  	s6 =	simm.s32 $_size__tile_overlayer_lowered;
	s7 =	simm.s32 $_tile_overlayer_lowered  }
0x9c: {  	s22 =	simm.s32 $0x1BFF;
	s21 =	sshll.u32 s7, $0x1;
	s4 =	sadd.s32 s5, s19  }
0x9d: {  	s8 =	simm.s32 $0x0;
	s20 =	sshll.u32 s6, $0x1;
	s6 =	sadd.s32 s21, s4  }
0x9e: {  	[timem:s8], [sflag:s22] =	dma.local [hbm:s6], s20  }
0x9f: {  	_ =	swait.ge [sflag:s22], s20  }
0xa0: {  	s5 =	ssub.s32 $0x0, s20;
	[sflag:s22] =	ssyncset.done $0x0  }
0xa1: {  	[sflag:s22] =	ssyncadd.s32 s5;
	_ =	sdelay $0x1  }
0xa2: {  	s23 =	simm.s32 $0x1B8B  }
0xa3: {  	_ =	swait.ge [sflag:s23], $0x1  }
0xa4: {  	[sflag:s23] =	ssyncset.done $0x0  }
0xa5: {  	s25 =	simm.s32 $0x1B8E;
	s24 =	sld [smem:$0x3FFE];
	[sflag:s23] =	ssyncadd.s32 $0xFFFFFFFF  }
0xa6: {  	s26 =	simm.s32 $execute0_lowered;
	[smem:$0x3FD2] =	sst s25  }
0xa7: {  	s6 =	sshll.u32 s26, $0x1;
	_ =	strace $0x80000046;
	[dreg:$0x1] =	wrdreg $0xFFFFFFFF  }
0xa8: {  	s28 =	simm.s32 $_size_execute0_lowered;
	s4 =	sadd.s32 s4, s6;
	[dreg:$0x0] =	wrdreg $0x0  }
0xa9: {  	s6 =	sshll.u32 s28, $0x1;
	[dreg:$0x2] =	wrdreg s4  }
0xaa: {  	[dreg:$0x3] =	wrdreg s6  }
0xab: {  	[dreg:$0x4] =	wrdreg $0xC0  }
0xac: {  	_ =	task [dreg:s8], $0x5FFFF  }
0xad: {  	[dreg:$0x1] =	wrdreg $0xFFFFFFFF  }
0xae: {  	[dreg:$0x0] =	wrdreg $0x60  }
0xaf: {  	[dreg:$0x2] =	wrdreg s24  }
0xb0: {  	[dreg:$0x3] =	wrdreg s2  }
0xb1: {  	[dreg:$0x4] =	wrdreg s18  }
0xb2: {  	[dreg:$0x5] =	wrdreg $0x9  }
0xb3: {  	_ =	task.clear_ibuf [dreg:s8], $0x6FFFF;
	_ =	strace $0x90000046  }
0xb4: {  	s29 =	simm.s32 $0x9;
	_ =	strace $0x80000048  }
0xb5: {  	_ =	swait.ge [sflag:s29], $0x1  }
0xb6: {  	[sflag:s29] =	ssyncadd.s32 $0xFFFFFFFF  }
0xb7: {  	_ =	strace $0x90000048  }
0xb8: {  	_ =	sfence  }
0xb9: {  	s30 =	sld [smem:$0x0];
	_ =	sdelay $0x2  }
0xba: {  	s31 =	sshll.u32 s1, $0xD;
	s1 =	sshrl.u32 s1, $0x2  }
0xbb: {  	s3 =	sand.u32 $0x4000, s31;
	s1 =	sadd.s32 s1, s30  }
0xbc: {  	s0 =	sor.u32 s3, s0;
	s1 =	sshll.u32 s1, $0x11  }
0xbd: {  	s0 =	sor.u32 s1, s0  }
0xbe: {  	s0 =	sadd.s32 $0x8F2B, s0  }
0xbf: {  	[sflag:s0] =	ssyncadd.remote.s32 $0x1  }
0xc0: {  	_ =	sfence.sel $0xFFFF  }
0xc1: {  	[dreg:$0x0] =	wrdreg $0xFFFFFFFF;
	(pc) =	sbr.abs _section_cstart, $3  }
0xc2: {  	[dreg:$0x1] =	wrdreg $0xFFFFFFFF  }
0xc3: {  	_ =	task.clear_ibuf [dreg:s8], $0x2FFFF;
	_ =	strace $0x9FFFFFFF  }
0xc4: {  	(tm) =	ssettm $0x7FFFFFFF  }
0xc5: {  	_ =	shalt  }
tec
execute0_lowered:
.L_overlay_start_1:
0x0: {  	(tag) =	ssettag $0x1  }
0x1: {  	s0 =	rddreg [dreg:$0x0]  }
0x2: {  	s1 =	srdreg.scid;
	s3 =	rddreg [dreg:$0x1]  }
0x3: {  	s2 =	stileid.u32;
	s4 =	rddreg [dreg:$0x2];
	s1 =	sand.u32 $0x1, s1  }
0x4: {  	s24 =	simm.s32 $0x200;
	s5 =	sshll.u32 s2, $0xA;
	s6 =	sshll.u32 s1, $0x9  }
0x5: {  	s14 =	simm.s32 $0x1;
	s2 =	simm.s32 $0x0;
	s5 =	sor.u32 s6, s5  }
0x6: {  	s15 =	simm.s32 $0x2;
	[smem:$0x7FF] =	sst s2;
	s6 =	sshrl.u32 s5, $0x3  }
0x7: {  	s1 =	ssub.s32 $0x2, s1;
	s5 =	sshll.u32 s5, $0x6;
	s3 =	sadd.s32 s3, s6  }
0x8: {  	_ =	strace $0x80000047;
	s26 =	sadd.s32 s4, s5;
	[dreg:$0x4] =	wrdreg s3  }
0x9: {  	s30 =	sshrl.u32 s1, $0x1;
	s28 =	sadd.s32 $0x2000, s26;
	[dreg:$0x8] =	wrdreg s26  }
0xa: {  	v2 =	vlaneseq.u32;
	s1 =	ssub.s32 s1, s30;
	s29 =	sadd.s32 $0x4000, s26;
	[dreg:$0x5] =	wrdreg s28  }
0xb: {  	vm0 =	vmmov $0xffff;
	v1 =	vshrl.u32 v2, $0x3;
	s4 =	sadd.s32 $0x1000, s0;
	s31 =	sadd.s32 $0x6000, s26;
	[dreg:$0x6] =	wrdreg s29  }
0xc: {  	v0 =	vand.u32 $0x7, v2;
	v2 =	vor.u32 $0x8, v2;
	v1 =	vmul.u32 $0x8, v1;
	s5 =	sadd.s32 $0x1100, s0;
	s6 =	smax.u32 s1, $0x1;
	[dreg:$0x7] =	wrdreg s31  }
.LBB2_1:
0xd: {  	s16 =	rddreg [dreg:$0x4];
	s23 =	simm.s32 $0x3  }
0xe: {  	[tilespmem:s2], [sflag:$0x3] =	stream.linear.gather [hbm4b:s16+s2], $0x200, $0x38;
	[tilespmem:$0x10200] =	vst v63  }
0xf: {  	_ =	swait.ge [sflag:s23], $0x200  }
0x10: {  	[sflag:s23] =	ssyncset.done $0x0  }
0x11: {  	[sflag:s23] =	ssyncadd.s32 $0xFFFFFE00  }
0x12: {  	v3 =	vld [tilespmem:$0x0];
	_ =	sdelay $0x4  }
0x13: {  	v4 =	vshll.u32 v3, $0x2  }
0x14: {  	v3 =	vand.u32 $0x7, v3;
	v4 =	vand.u32 $0xFFFFFFE0, v4  }
0x15: {  	v3 =	vor.u32 v3, v4  }
0x16: {  	v4 =	vperm.xlane v3, v0;
	_ =	sdelay $0x1  }
0x17: {  	v4 =	vadd.s32 v1, v4;
	_ =	sdelay $0x1  }
0x18: {  	v3 =	vperm.xlane v3, v2;
	_ =	sdelay $0x1  }
0x19: {  	v3 =	vadd.s32 v1, v3  }
0x1a: {  	[tilespmem:s24], [sflag:$0x1] =	stream.indirect_vreg.gather [hbm4b:s4+s2], $0x80, v4, vm0, $0xb8;
	[tilespmem:$0x10200] =	vst v63  }
0x1b: {  	s0 =	simm.s32 $0xA00  }
0x1c: {  	[tilespmem:s0], [sflag:$0x1] =	stream.indirect_vreg.gather [hbm4b:s5+s2], $0x80, v4, vm0, $0xb8;
	[tilespmem:$0x10200] =	vst v63  }
0x1d: {  	s25 =	simm.s32 $0x1200  }
0x1e: {  	[tilespmem:s25], [sflag:$0x1] =	stream.indirect_vreg.gather [hbm4b:s4+s2], $0x80, v3, vm0, $0xb8;
	[tilespmem:$0x10200] =	vst v63  }
0x1f: {  	s26 =	simm.s32 $0x1A00  }
0x20: {  	[tilespmem:s26], [sflag:$0x1] =	stream.indirect_vreg.gather [hbm4b:s5+s2], $0x80, v3, vm0, $0xb8;
	[tilespmem:$0x10200] =	vst v63  }
0x21: {  	v3 =	vld [tilespmem:$0x10];
	_ =	sdelay $0x4  }
0x22: {  	v33 =	vshll.u32 v3, $0x2  }
0x23: {  	v3 =	vand.u32 $0x7, v3;
	v4 =	vand.u32 $0xFFFFFFE0, v33  }
0x24: {  	v3 =	vor.u32 v3, v4  }
0x25: {  	v4 =	vperm.xlane v3, v0;
	_ =	sdelay $0x1  }
0x26: {  	v4 =	vadd.s32 v1, v4;
	_ =	sdelay $0x1  }
0x27: {  	v3 =	vperm.xlane v3, v2;
	_ =	sdelay $0x1  }
0x28: {  	s28 =	simm.s32 $0x2200;
	v3 =	vadd.s32 v1, v3  }
0x29: {  	[tilespmem:s28], [sflag:$0x1] =	stream.indirect_vreg.gather [hbm4b:s4+s2], $0x80, v4, vm0, $0xb8;
	[tilespmem:$0x10200] =	vst v63  }
0x2a: {  	s29 =	simm.s32 $0x2A00  }
0x2b: {  	[tilespmem:s29], [sflag:$0x1] =	stream.indirect_vreg.gather [hbm4b:s5+s2], $0x80, v4, vm0, $0xb8;
	[tilespmem:$0x10200] =	vst v63  }
0x2c: {  	s30 =	simm.s32 $0x3200  }
0x2d: {  	[tilespmem:s30], [sflag:$0x1] =	stream.indirect_vreg.gather [hbm4b:s4+s2], $0x80, v3, vm0, $0xb8;
	[tilespmem:$0x10200] =	vst v63  }
0x2e: {  	s31 =	simm.s32 $0x3A00  }
0x2f: {  	[tilespmem:s31], [sflag:$0x1] =	stream.indirect_vreg.gather [hbm4b:s5+s2], $0x80, v3, vm0, $0xb8;
	[tilespmem:$0x10200] =	vst v63  }
0x30: {  	v3 =	vld [tilespmem:$0x20];
	_ =	sdelay $0x4  }
0x31: {  	v34 =	vshll.u32 v3, $0x2  }
0x32: {  	v3 =	vand.u32 $0x7, v3;
	v4 =	vand.u32 $0xFFFFFFE0, v34  }
0x33: {  	v3 =	vor.u32 v3, v4  }
0x34: {  	v4 =	vperm.xlane v3, v0;
	_ =	sdelay $0x1  }
0x35: {  	v4 =	vadd.s32 v1, v4;
	_ =	sdelay $0x1  }
0x36: {  	v3 =	vperm.xlane v3, v2;
	_ =	sdelay $0x1  }
0x37: {  	s9 =	simm.s32 $0x4200;
	v3 =	vadd.s32 v1, v3  }
0x38: {  	[tilespmem:s9], [sflag:$0x1] =	stream.indirect_vreg.gather [hbm4b:s4+s2], $0x80, v4, vm0, $0xb8;
	[tilespmem:$0x10200] =	vst v63  }
0x39: {  	s12 =	simm.s32 $0x4A00  }
0x3a: {  	[tilespmem:s12], [sflag:$0x1] =	stream.indirect_vreg.gather [hbm4b:s5+s2], $0x80, v4, vm0, $0xb8;
	[tilespmem:$0x10200] =	vst v63  }
0x3b: {  	s13 =	simm.s32 $0x5200  }
0x3c: {  	[tilespmem:s13], [sflag:$0x1] =	stream.indirect_vreg.gather [hbm4b:s4+s2], $0x80, v3, vm0, $0xb8;
	[tilespmem:$0x10200] =	vst v63  }
0x3d: {  	s16 =	simm.s32 $0x5A00  }
0x3e: {  	[tilespmem:s16], [sflag:$0x1] =	stream.indirect_vreg.gather [hbm4b:s5+s2], $0x80, v3, vm0, $0xb8;
	[tilespmem:$0x10200] =	vst v63  }
0x3f: {  	v3 =	vld [tilespmem:$0x30];
	_ =	sdelay $0x4  }
0x40: {  	v35 =	vshll.u32 v3, $0x2  }
0x41: {  	v3 =	vand.u32 $0x7, v3;
	v4 =	vand.u32 $0xFFFFFFE0, v35  }
0x42: {  	v3 =	vor.u32 v3, v4  }
0x43: {  	v4 =	vperm.xlane v3, v0;
	_ =	sdelay $0x1  }
0x44: {  	v4 =	vadd.s32 v1, v4;
	_ =	sdelay $0x1  }
0x45: {  	v3 =	vperm.xlane v3, v2;
	_ =	sdelay $0x1  }
0x46: {  	s17 =	simm.s32 $0x6200;
	v3 =	vadd.s32 v1, v3  }
0x47: {  	[tilespmem:s17], [sflag:$0x1] =	stream.indirect_vreg.gather [hbm4b:s4+s2], $0x80, v4, vm0, $0xb8;
	[tilespmem:$0x10200] =	vst v63  }
0x48: {  	s18 =	simm.s32 $0x6A00  }
0x49: {  	[tilespmem:s18], [sflag:$0x1] =	stream.indirect_vreg.gather [hbm4b:s5+s2], $0x80, v4, vm0, $0xb8;
	[tilespmem:$0x10200] =	vst v63  }
0x4a: {  	s19 =	simm.s32 $0x7200  }
0x4b: {  	[tilespmem:s19], [sflag:$0x1] =	stream.indirect_vreg.gather [hbm4b:s4+s2], $0x80, v3, vm0, $0xb8;
	[tilespmem:$0x10200] =	vst v63  }
0x4c: {  	s20 =	simm.s32 $0x7A00  }
0x4d: {  	[tilespmem:s20], [sflag:$0x1] =	stream.indirect_vreg.gather [hbm4b:s5+s2], $0x80, v3, vm0, $0xb8;
	[tilespmem:$0x10200] =	vst v63  }
0x4e: {  	v3 =	vld [tilespmem:$0x40];
	_ =	sdelay $0x4  }
0x4f: {  	v36 =	vshll.u32 v3, $0x2  }
0x50: {  	v3 =	vand.u32 $0x7, v3;
	v4 =	vand.u32 $0xFFFFFFE0, v36  }
0x51: {  	v3 =	vor.u32 v3, v4  }
0x52: {  	v4 =	vperm.xlane v3, v0;
	_ =	sdelay $0x1  }
0x53: {  	v4 =	vadd.s32 v1, v4;
	_ =	sdelay $0x1  }
0x54: {  	v3 =	vperm.xlane v3, v2;
	_ =	sdelay $0x1  }
0x55: {  	s21 =	simm.s32 $0x8200;
	v3 =	vadd.s32 v1, v3  }
0x56: {  	[tilespmem:s21], [sflag:$0x1] =	stream.indirect_vreg.gather [hbm4b:s4+s2], $0x80, v4, vm0, $0xb8;
	[tilespmem:$0x10200] =	vst v63  }
0x57: {  	s22 =	simm.s32 $0x8A00  }
0x58: {  	[tilespmem:s22], [sflag:$0x1] =	stream.indirect_vreg.gather [hbm4b:s5+s2], $0x80, v4, vm0, $0xb8;
	[tilespmem:$0x10200] =	vst v63  }
0x59: {  	s23 =	simm.s32 $0x9200  }
0x5a: {  	[tilespmem:s23], [sflag:$0x1] =	stream.indirect_vreg.gather [hbm4b:s4+s2], $0x80, v3, vm0, $0xb8;
	[tilespmem:$0x10200] =	vst v63  }
0x5b: {  	s25 =	simm.s32 $0x9A00  }
0x5c: {  	[tilespmem:s25], [sflag:$0x1] =	stream.indirect_vreg.gather [hbm4b:s5+s2], $0x80, v3, vm0, $0xb8;
	[tilespmem:$0x10200] =	vst v63  }
0x5d: {  	v3 =	vld [tilespmem:$0x50];
	_ =	sdelay $0x4  }
0x5e: {  	v37 =	vshll.u32 v3, $0x2  }
0x5f: {  	v3 =	vand.u32 $0x7, v3;
	v4 =	vand.u32 $0xFFFFFFE0, v37  }
0x60: {  	v3 =	vor.u32 v3, v4  }
0x61: {  	v4 =	vperm.xlane v3, v0;
	_ =	sdelay $0x1  }
0x62: {  	v4 =	vadd.s32 v1, v4;
	_ =	sdelay $0x1  }
0x63: {  	v3 =	vperm.xlane v3, v2;
	_ =	sdelay $0x1  }
0x64: {  	s26 =	simm.s32 $0xA200;
	v3 =	vadd.s32 v1, v3  }
0x65: {  	[tilespmem:s26], [sflag:$0x1] =	stream.indirect_vreg.gather [hbm4b:s4+s2], $0x80, v4, vm0, $0xb8;
	[tilespmem:$0x10200] =	vst v63  }
0x66: {  	s28 =	simm.s32 $0xAA00  }
0x67: {  	[tilespmem:s28], [sflag:$0x1] =	stream.indirect_vreg.gather [hbm4b:s5+s2], $0x80, v4, vm0, $0xb8;
	[tilespmem:$0x10200] =	vst v63  }
0x68: {  	s29 =	simm.s32 $0xB200  }
0x69: {  	[tilespmem:s29], [sflag:$0x1] =	stream.indirect_vreg.gather [hbm4b:s4+s2], $0x80, v3, vm0, $0xb8;
	[tilespmem:$0x10200] =	vst v63  }
0x6a: {  	s30 =	simm.s32 $0xBA00  }
0x6b: {  	[tilespmem:s30], [sflag:$0x1] =	stream.indirect_vreg.gather [hbm4b:s5+s2], $0x80, v3, vm0, $0xb8;
	[tilespmem:$0x10200] =	vst v63  }
0x6c: {  	v3 =	vld [tilespmem:$0x60];
	_ =	sdelay $0x4  }
0x6d: {  	v38 =	vshll.u32 v3, $0x2  }
0x6e: {  	v3 =	vand.u32 $0x7, v3;
	v4 =	vand.u32 $0xFFFFFFE0, v38  }
0x6f: {  	v3 =	vor.u32 v3, v4  }
0x70: {  	v4 =	vperm.xlane v3, v0;
	_ =	sdelay $0x1  }
0x71: {  	v4 =	vadd.s32 v1, v4;
	_ =	sdelay $0x1  }
0x72: {  	v3 =	vperm.xlane v3, v2;
	_ =	sdelay $0x1  }
0x73: {  	s31 =	simm.s32 $0xC200;
	v3 =	vadd.s32 v1, v3  }
0x74: {  	[tilespmem:s31], [sflag:$0x1] =	stream.indirect_vreg.gather [hbm4b:s4+s2], $0x80, v4, vm0, $0xb8;
	[tilespmem:$0x10200] =	vst v63  }
0x75: {  	s0 =	simm.s32 $0xCA00  }
0x76: {  	[tilespmem:s0], [sflag:$0x1] =	stream.indirect_vreg.gather [hbm4b:s5+s2], $0x80, v4, vm0, $0xb8;
	[tilespmem:$0x10200] =	vst v63  }
0x77: {  	s12 =	simm.s32 $0xD200  }
0x78: {  	[tilespmem:s12], [sflag:$0x1] =	stream.indirect_vreg.gather [hbm4b:s4+s2], $0x80, v3, vm0, $0xb8;
	[tilespmem:$0x10200] =	vst v63  }
0x79: {  	s13 =	simm.s32 $0xDA00  }
0x7a: {  	[tilespmem:s13], [sflag:$0x1] =	stream.indirect_vreg.gather [hbm4b:s5+s2], $0x80, v3, vm0, $0xb8;
	[tilespmem:$0x10200] =	vst v63  }
0x7b: {  	v3 =	vld [tilespmem:$0x70];
	_ =	sdelay $0x4  }
0x7c: {  	v39 =	vshll.u32 v3, $0x2  }
0x7d: {  	v3 =	vand.u32 $0x7, v3;
	v4 =	vand.u32 $0xFFFFFFE0, v39  }
0x7e: {  	v3 =	vor.u32 v3, v4  }
0x7f: {  	v4 =	vperm.xlane v3, v0;
	_ =	sdelay $0x1  }
0x80: {  	v4 =	vadd.s32 v1, v4;
	_ =	sdelay $0x1  }
0x81: {  	v3 =	vperm.xlane v3, v2;
	_ =	sdelay $0x1  }
0x82: {  	s17 =	simm.s32 $0xE200;
	v3 =	vadd.s32 v1, v3  }
0x83: {  	[tilespmem:s17], [sflag:$0x1] =	stream.indirect_vreg.gather [hbm4b:s4+s2], $0x80, v4, vm0, $0xb8;
	[tilespmem:$0x10200] =	vst v63  }
0x84: {  	s18 =	simm.s32 $0xEA00  }
0x85: {  	[tilespmem:s18], [sflag:$0x1] =	stream.indirect_vreg.gather [hbm4b:s5+s2], $0x80, v4, vm0, $0xb8;
	[tilespmem:$0x10200] =	vst v63  }
0x86: {  	s19 =	simm.s32 $0xF200  }
0x87: {  	[tilespmem:s19], [sflag:$0x1] =	stream.indirect_vreg.gather [hbm4b:s4+s2], $0x80, v3, vm0, $0xb8;
	[tilespmem:$0x10200] =	vst v63  }
0x88: {  	s20 =	simm.s32 $0xFA00  }
0x89: {  	[tilespmem:s20], [sflag:$0x1] =	stream.indirect_vreg.gather [hbm4b:s5+s2], $0x80, v3, vm0, $0xb8;
	[tilespmem:$0x10200] =	vst v63  }
0x8a: {  	_ =	swait.ge [sflag:s14], $0x10000  }
0x8b: {  	[sflag:s14] =	ssyncset.done $0x0  }
0x8c: {  	s21 =	rddreg [dreg:$0x8];
	[sflag:s14] =	ssyncadd.s32 $0xFFFF0000  }
0x8d: {  	[hbm4b:s21+s2] =	stream.linear.scatter [tilespmem:s24], [sflag:$0x2], $0x10000, $0x38;
	[tilespmem:$0x10200] =	vst v63  }
0x8e: {  	_ =	swait.ge [sflag:s15], $0x10000  }
0x8f: {  	[sflag:s15] =	ssyncset.done $0x0  }
0x90: {  	[sflag:s15] =	ssyncadd.s32 $0xFFFF0000  }
0x91: {  	v3 =	vld [tilespmem:$0x80];
	_ =	sdelay $0x4  }
0x92: {  	v40 =	vshll.u32 v3, $0x2  }
0x93: {  	v3 =	vand.u32 $0x7, v3;
	v4 =	vand.u32 $0xFFFFFFE0, v40  }
0x94: {  	v3 =	vor.u32 v3, v4  }
0x95: {  	v4 =	vperm.xlane v3, v0;
	_ =	sdelay $0x1  }
0x96: {  	v4 =	vadd.s32 v1, v4;
	_ =	sdelay $0x1  }
0x97: {  	v3 =	vperm.xlane v3, v2;
	_ =	sdelay $0x1  }
0x98: {  	v3 =	vadd.s32 v1, v3  }
0x99: {  	[tilespmem:s24], [sflag:$0x1] =	stream.indirect_vreg.gather [hbm4b:s4+s2], $0x80, v4, vm0, $0xb8;
	[tilespmem:$0x10200] =	vst v63  }
0x9a: {  	s1 =	simm.s32 $0xA00  }
0x9b: {  	[tilespmem:s1], [sflag:$0x1] =	stream.indirect_vreg.gather [hbm4b:s5+s2], $0x80, v4, vm0, $0xb8;
	[tilespmem:$0x10200] =	vst v63  }
0x9c: {  	s3 =	simm.s32 $0x1200  }
0x9d: {  	[tilespmem:s3], [sflag:$0x1] =	stream.indirect_vreg.gather [hbm4b:s4+s2], $0x80, v3, vm0, $0xb8;
	[tilespmem:$0x10200] =	vst v63  }
0x9e: {  	s18 =	simm.s32 $0x1A00  }
0x9f: {  	[tilespmem:s18], [sflag:$0x1] =	stream.indirect_vreg.gather [hbm4b:s5+s2], $0x80, v3, vm0, $0xb8;
	[tilespmem:$0x10200] =	vst v63  }
0xa0: {  	v3 =	vld [tilespmem:$0x90];
	_ =	sdelay $0x4  }
0xa1: {  	v41 =	vshll.u32 v3, $0x2  }
0xa2: {  	v3 =	vand.u32 $0x7, v3;
	v4 =	vand.u32 $0xFFFFFFE0, v41  }
0xa3: {  	v3 =	vor.u32 v3, v4  }
0xa4: {  	v4 =	vperm.xlane v3, v0;
	_ =	sdelay $0x1  }
0xa5: {  	v4 =	vadd.s32 v1, v4;
	_ =	sdelay $0x1  }
0xa6: {  	v3 =	vperm.xlane v3, v2;
	_ =	sdelay $0x1  }
0xa7: {  	s7 =	simm.s32 $0x2200;
	v3 =	vadd.s32 v1, v3  }
0xa8: {  	[tilespmem:s7], [sflag:$0x1] =	stream.indirect_vreg.gather [hbm4b:s4+s2], $0x80, v4, vm0, $0xb8;
	[tilespmem:$0x10200] =	vst v63  }
0xa9: {  	s8 =	simm.s32 $0x2A00  }
0xaa: {  	[tilespmem:s8], [sflag:$0x1] =	stream.indirect_vreg.gather [hbm4b:s5+s2], $0x80, v4, vm0, $0xb8;
	[tilespmem:$0x10200] =	vst v63  }
0xab: {  	s10 =	simm.s32 $0x3200  }
0xac: {  	[tilespmem:s10], [sflag:$0x1] =	stream.indirect_vreg.gather [hbm4b:s4+s2], $0x80, v3, vm0, $0xb8;
	[tilespmem:$0x10200] =	vst v63  }
0xad: {  	s11 =	simm.s32 $0x3A00  }
0xae: {  	[tilespmem:s11], [sflag:$0x1] =	stream.indirect_vreg.gather [hbm4b:s5+s2], $0x80, v3, vm0, $0xb8;
	[tilespmem:$0x10200] =	vst v63  }
0xaf: {  	v3 =	vld [tilespmem:$0xA0];
	_ =	sdelay $0x4  }
0xb0: {  	v42 =	vshll.u32 v3, $0x2  }
0xb1: {  	v3 =	vand.u32 $0x7, v3;
	v4 =	vand.u32 $0xFFFFFFE0, v42  }
0xb2: {  	v3 =	vor.u32 v3, v4  }
0xb3: {  	v4 =	vperm.xlane v3, v0;
	_ =	sdelay $0x1  }
0xb4: {  	v4 =	vadd.s32 v1, v4;
	_ =	sdelay $0x1  }
0xb5: {  	v3 =	vperm.xlane v3, v2;
	_ =	sdelay $0x1  }
0xb6: {  	s11 =	simm.s32 $0x4200;
	v3 =	vadd.s32 v1, v3  }
0xb7: {  	[tilespmem:s11], [sflag:$0x1] =	stream.indirect_vreg.gather [hbm4b:s4+s2], $0x80, v4, vm0, $0xb8;
	[tilespmem:$0x10200] =	vst v63  }
0xb8: {  	s12 =	simm.s32 $0x4A00  }
0xb9: {  	[tilespmem:s12], [sflag:$0x1] =	stream.indirect_vreg.gather [hbm4b:s5+s2], $0x80, v4, vm0, $0xb8;
	[tilespmem:$0x10200] =	vst v63  }
0xba: {  	s13 =	simm.s32 $0x5200  }
0xbb: {  	[tilespmem:s13], [sflag:$0x1] =	stream.indirect_vreg.gather [hbm4b:s4+s2], $0x80, v3, vm0, $0xb8;
	[tilespmem:$0x10200] =	vst v63  }
0xbc: {  	s17 =	simm.s32 $0x5A00  }
0xbd: {  	[tilespmem:s17], [sflag:$0x1] =	stream.indirect_vreg.gather [hbm4b:s5+s2], $0x80, v3, vm0, $0xb8;
	[tilespmem:$0x10200] =	vst v63  }
0xbe: {  	v3 =	vld [tilespmem:$0xB0];
	_ =	sdelay $0x4  }
0xbf: {  	v43 =	vshll.u32 v3, $0x2  }
0xc0: {  	v3 =	vand.u32 $0x7, v3;
	v4 =	vand.u32 $0xFFFFFFE0, v43  }
0xc1: {  	v3 =	vor.u32 v3, v4  }
0xc2: {  	v4 =	vperm.xlane v3, v0;
	_ =	sdelay $0x1  }
0xc3: {  	v4 =	vadd.s32 v1, v4;
	_ =	sdelay $0x1  }
0xc4: {  	v3 =	vperm.xlane v3, v2;
	_ =	sdelay $0x1  }
0xc5: {  	s19 =	simm.s32 $0x6200;
	v3 =	vadd.s32 v1, v3  }
0xc6: {  	[tilespmem:s19], [sflag:$0x1] =	stream.indirect_vreg.gather [hbm4b:s4+s2], $0x80, v4, vm0, $0xb8;
	[tilespmem:$0x10200] =	vst v63  }
0xc7: {  	s20 =	simm.s32 $0x6A00  }
0xc8: {  	[tilespmem:s20], [sflag:$0x1] =	stream.indirect_vreg.gather [hbm4b:s5+s2], $0x80, v4, vm0, $0xb8;
	[tilespmem:$0x10200] =	vst v63  }
0xc9: {  	s21 =	simm.s32 $0x7200  }
0xca: {  	[tilespmem:s21], [sflag:$0x1] =	stream.indirect_vreg.gather [hbm4b:s4+s2], $0x80, v3, vm0, $0xb8;
	[tilespmem:$0x10200] =	vst v63  }
0xcb: {  	s9 =	simm.s32 $0x7A00  }
0xcc: {  	[tilespmem:s9], [sflag:$0x1] =	stream.indirect_vreg.gather [hbm4b:s5+s2], $0x80, v3, vm0, $0xb8;
	[tilespmem:$0x10200] =	vst v63  }
0xcd: {  	v3 =	vld [tilespmem:$0xC0];
	_ =	sdelay $0x4  }
0xce: {  	v44 =	vshll.u32 v3, $0x2  }
0xcf: {  	v3 =	vand.u32 $0x7, v3;
	v4 =	vand.u32 $0xFFFFFFE0, v44  }
0xd0: {  	v3 =	vor.u32 v3, v4  }
0xd1: {  	v4 =	vperm.xlane v3, v0;
	_ =	sdelay $0x1  }
0xd2: {  	v4 =	vadd.s32 v1, v4;
	_ =	sdelay $0x1  }
0xd3: {  	v3 =	vperm.xlane v3, v2;
	_ =	sdelay $0x1  }
0xd4: {  	s0 =	simm.s32 $0x8200;
	v3 =	vadd.s32 v1, v3  }
0xd5: {  	[tilespmem:s0], [sflag:$0x1] =	stream.indirect_vreg.gather [hbm4b:s4+s2], $0x80, v4, vm0, $0xb8;
	[tilespmem:$0x10200] =	vst v63  }
0xd6: {  	s1 =	simm.s32 $0x8A00  }
0xd7: {  	[tilespmem:s1], [sflag:$0x1] =	stream.indirect_vreg.gather [hbm4b:s5+s2], $0x80, v4, vm0, $0xb8;
	[tilespmem:$0x10200] =	vst v63  }
0xd8: {  	s3 =	simm.s32 $0x9200  }
0xd9: {  	[tilespmem:s3], [sflag:$0x1] =	stream.indirect_vreg.gather [hbm4b:s4+s2], $0x80, v3, vm0, $0xb8;
	[tilespmem:$0x10200] =	vst v63  }
0xda: {  	s10 =	simm.s32 $0x9A00  }
0xdb: {  	[tilespmem:s10], [sflag:$0x1] =	stream.indirect_vreg.gather [hbm4b:s5+s2], $0x80, v3, vm0, $0xb8;
	[tilespmem:$0x10200] =	vst v63  }
0xdc: {  	v3 =	vld [tilespmem:$0xD0];
	_ =	sdelay $0x4  }
0xdd: {  	v45 =	vshll.u32 v3, $0x2  }
0xde: {  	v3 =	vand.u32 $0x7, v3;
	v4 =	vand.u32 $0xFFFFFFE0, v45  }
0xdf: {  	v3 =	vor.u32 v3, v4  }
0xe0: {  	v4 =	vperm.xlane v3, v0;
	_ =	sdelay $0x1  }
0xe1: {  	v4 =	vadd.s32 v1, v4;
	_ =	sdelay $0x1  }
0xe2: {  	v3 =	vperm.xlane v3, v2;
	_ =	sdelay $0x1  }
0xe3: {  	s7 =	simm.s32 $0xA200;
	v3 =	vadd.s32 v1, v3  }
0xe4: {  	[tilespmem:s7], [sflag:$0x1] =	stream.indirect_vreg.gather [hbm4b:s4+s2], $0x80, v4, vm0, $0xb8;
	[tilespmem:$0x10200] =	vst v63  }
0xe5: {  	s8 =	simm.s32 $0xAA00  }
0xe6: {  	[tilespmem:s8], [sflag:$0x1] =	stream.indirect_vreg.gather [hbm4b:s5+s2], $0x80, v4, vm0, $0xb8;
	[tilespmem:$0x10200] =	vst v63  }
0xe7: {  	s9 =	simm.s32 $0xB200  }
0xe8: {  	[tilespmem:s9], [sflag:$0x1] =	stream.indirect_vreg.gather [hbm4b:s4+s2], $0x80, v3, vm0, $0xb8;
	[tilespmem:$0x10200] =	vst v63  }
0xe9: {  	s23 =	simm.s32 $0xBA00  }
0xea: {  	[tilespmem:s23], [sflag:$0x1] =	stream.indirect_vreg.gather [hbm4b:s5+s2], $0x80, v3, vm0, $0xb8;
	[tilespmem:$0x10200] =	vst v63  }
0xeb: {  	v3 =	vld [tilespmem:$0xE0];
	_ =	sdelay $0x4  }
0xec: {  	v46 =	vshll.u32 v3, $0x2  }
0xed: {  	v3 =	vand.u32 $0x7, v3;
	v4 =	vand.u32 $0xFFFFFFE0, v46  }
0xee: {  	v3 =	vor.u32 v3, v4  }
0xef: {  	v4 =	vperm.xlane v3, v0;
	_ =	sdelay $0x1  }
0xf0: {  	v4 =	vadd.s32 v1, v4;
	_ =	sdelay $0x1  }
0xf1: {  	v3 =	vperm.xlane v3, v2;
	_ =	sdelay $0x1  }
0xf2: {  	s29 =	simm.s32 $0xC200;
	v3 =	vadd.s32 v1, v3  }
0xf3: {  	[tilespmem:s29], [sflag:$0x1] =	stream.indirect_vreg.gather [hbm4b:s4+s2], $0x80, v4, vm0, $0xb8;
	[tilespmem:$0x10200] =	vst v63  }
0xf4: {  	s30 =	simm.s32 $0xCA00  }
0xf5: {  	[tilespmem:s30], [sflag:$0x1] =	stream.indirect_vreg.gather [hbm4b:s5+s2], $0x80, v4, vm0, $0xb8;
	[tilespmem:$0x10200] =	vst v63  }
0xf6: {  	s31 =	simm.s32 $0xD200  }
0xf7: {  	[tilespmem:s31], [sflag:$0x1] =	stream.indirect_vreg.gather [hbm4b:s4+s2], $0x80, v3, vm0, $0xb8;
	[tilespmem:$0x10200] =	vst v63  }
0xf8: {  	s22 =	simm.s32 $0xDA00  }
0xf9: {  	[tilespmem:s22], [sflag:$0x1] =	stream.indirect_vreg.gather [hbm4b:s5+s2], $0x80, v3, vm0, $0xb8;
	[tilespmem:$0x10200] =	vst v63  }
0xfa: {  	v3 =	vld [tilespmem:$0xF0];
	_ =	sdelay $0x4  }
0xfb: {  	v47 =	vshll.u32 v3, $0x2  }
0xfc: {  	v3 =	vand.u32 $0x7, v3;
	v4 =	vand.u32 $0xFFFFFFE0, v47  }
0xfd: {  	v3 =	vor.u32 v3, v4  }
0xfe: {  	v4 =	vperm.xlane v3, v0;
	_ =	sdelay $0x1  }
0xff: {  	v4 =	vadd.s32 v1, v4;
	_ =	sdelay $0x1  }
0x100: {  	v3 =	vperm.xlane v3, v2;
	_ =	sdelay $0x1  }
0x101: {  	s31 =	simm.s32 $0xE200;
	v3 =	vadd.s32 v1, v3  }
0x102: {  	[tilespmem:s31], [sflag:$0x1] =	stream.indirect_vreg.gather [hbm4b:s4+s2], $0x80, v4, vm0, $0xb8;
	[tilespmem:$0x10200] =	vst v63  }
0x103: {  	s26 =	simm.s32 $0xEA00  }
0x104: {  	[tilespmem:s26], [sflag:$0x1] =	stream.indirect_vreg.gather [hbm4b:s5+s2], $0x80, v4, vm0, $0xb8;
	[tilespmem:$0x10200] =	vst v63  }
0x105: {  	s28 =	simm.s32 $0xF200  }
0x106: {  	[tilespmem:s28], [sflag:$0x1] =	stream.indirect_vreg.gather [hbm4b:s4+s2], $0x80, v3, vm0, $0xb8;
	[tilespmem:$0x10200] =	vst v63  }
0x107: {  	s25 =	simm.s32 $0xFA00  }
0x108: {  	[tilespmem:s25], [sflag:$0x1] =	stream.indirect_vreg.gather [hbm4b:s5+s2], $0x80, v3, vm0, $0xb8;
	[tilespmem:$0x10200] =	vst v63  }
0x109: {  	_ =	swait.ge [sflag:s14], $0x10000  }
0x10a: {  	[sflag:s14] =	ssyncset.done $0x0  }
0x10b: {  	s22 =	rddreg [dreg:$0x5];
	[sflag:s14] =	ssyncadd.s32 $0xFFFF0000  }
0x10c: {  	[hbm4b:s22+s2] =	stream.linear.scatter [tilespmem:s24], [sflag:$0x2], $0x10000, $0x38;
	[tilespmem:$0x10200] =	vst v63  }
0x10d: {  	_ =	swait.ge [sflag:s15], $0x10000  }
0x10e: {  	[sflag:s15] =	ssyncset.done $0x0  }
0x10f: {  	[sflag:s15] =	ssyncadd.s32 $0xFFFF0000  }
0x110: {  	v3 =	vld [tilespmem:$0x100];
	_ =	sdelay $0x4  }
0x111: {  	v48 =	vshll.u32 v3, $0x2  }
0x112: {  	v3 =	vand.u32 $0x7, v3;
	v4 =	vand.u32 $0xFFFFFFE0, v48  }
0x113: {  	v3 =	vor.u32 v3, v4  }
0x114: {  	v4 =	vperm.xlane v3, v0;
	_ =	sdelay $0x1  }
0x115: {  	v4 =	vadd.s32 v1, v4;
	_ =	sdelay $0x1  }
0x116: {  	v3 =	vperm.xlane v3, v2;
	_ =	sdelay $0x1  }
0x117: {  	v3 =	vadd.s32 v1, v3  }
0x118: {  	[tilespmem:s24], [sflag:$0x1] =	stream.indirect_vreg.gather [hbm4b:s4+s2], $0x80, v4, vm0, $0xb8;
	[tilespmem:$0x10200] =	vst v63  }
0x119: {  	s25 =	simm.s32 $0xA00  }
0x11a: {  	[tilespmem:s25], [sflag:$0x1] =	stream.indirect_vreg.gather [hbm4b:s5+s2], $0x80, v4, vm0, $0xb8;
	[tilespmem:$0x10200] =	vst v63  }
0x11b: {  	s26 =	simm.s32 $0x1200  }
0x11c: {  	[tilespmem:s26], [sflag:$0x1] =	stream.indirect_vreg.gather [hbm4b:s4+s2], $0x80, v3, vm0, $0xb8;
	[tilespmem:$0x10200] =	vst v63  }
0x11d: {  	_ = 	snop  }
0x11e: {  	[tilespmem:s18], [sflag:$0x1] =	stream.indirect_vreg.gather [hbm4b:s5+s2], $0x80, v3, vm0, $0xb8;
	[tilespmem:$0x10200] =	vst v63  }
0x11f: {  	v3 =	vld [tilespmem:$0x110];
	_ =	sdelay $0x4  }
0x120: {  	v49 =	vshll.u32 v3, $0x2  }
0x121: {  	v3 =	vand.u32 $0x7, v3;
	v4 =	vand.u32 $0xFFFFFFE0, v49  }
0x122: {  	v3 =	vor.u32 v3, v4  }
0x123: {  	v4 =	vperm.xlane v3, v0;
	_ =	sdelay $0x1  }
0x124: {  	v4 =	vadd.s32 v1, v4;
	_ =	sdelay $0x1  }
0x125: {  	v3 =	vperm.xlane v3, v2;
	_ =	sdelay $0x1  }
0x126: {  	s28 =	simm.s32 $0x2200;
	v3 =	vadd.s32 v1, v3  }
0x127: {  	[tilespmem:s28], [sflag:$0x1] =	stream.indirect_vreg.gather [hbm4b:s4+s2], $0x80, v4, vm0, $0xb8;
	[tilespmem:$0x10200] =	vst v63  }
0x128: {  	s31 =	simm.s32 $0x2A00  }
0x129: {  	[tilespmem:s31], [sflag:$0x1] =	stream.indirect_vreg.gather [hbm4b:s5+s2], $0x80, v4, vm0, $0xb8;
	[tilespmem:$0x10200] =	vst v63  }
0x12a: {  	s26 =	simm.s32 $0x3200  }
0x12b: {  	[tilespmem:s26], [sflag:$0x1] =	stream.indirect_vreg.gather [hbm4b:s4+s2], $0x80, v3, vm0, $0xb8;
	[tilespmem:$0x10200] =	vst v63  }
0x12c: {  	s28 =	simm.s32 $0x3A00  }
0x12d: {  	[tilespmem:s28], [sflag:$0x1] =	stream.indirect_vreg.gather [hbm4b:s5+s2], $0x80, v3, vm0, $0xb8;
	[tilespmem:$0x10200] =	vst v63  }
0x12e: {  	v3 =	vld [tilespmem:$0x120];
	_ =	sdelay $0x4  }
0x12f: {  	v50 =	vshll.u32 v3, $0x2  }
0x130: {  	v3 =	vand.u32 $0x7, v3;
	v4 =	vand.u32 $0xFFFFFFE0, v50  }
0x131: {  	v3 =	vor.u32 v3, v4  }
0x132: {  	v4 =	vperm.xlane v3, v0;
	_ =	sdelay $0x1  }
0x133: {  	v4 =	vadd.s32 v1, v4;
	_ =	sdelay $0x1  }
0x134: {  	v3 =	vperm.xlane v3, v2;
	_ =	sdelay $0x1  }
0x135: {  	v3 =	vadd.s32 v1, v3  }
0x136: {  	[tilespmem:s11], [sflag:$0x1] =	stream.indirect_vreg.gather [hbm4b:s4+s2], $0x80, v4, vm0, $0xb8;
	[tilespmem:$0x10200] =	vst v63  }
0x137: {  	_ = 	snop  }
0x138: {  	[tilespmem:s12], [sflag:$0x1] =	stream.indirect_vreg.gather [hbm4b:s5+s2], $0x80, v4, vm0, $0xb8;
	[tilespmem:$0x10200] =	vst v63  }
0x139: {  	_ = 	snop  }
0x13a: {  	[tilespmem:s13], [sflag:$0x1] =	stream.indirect_vreg.gather [hbm4b:s4+s2], $0x80, v3, vm0, $0xb8;
	[tilespmem:$0x10200] =	vst v63  }
0x13b: {  	_ = 	snop  }
0x13c: {  	[tilespmem:s17], [sflag:$0x1] =	stream.indirect_vreg.gather [hbm4b:s5+s2], $0x80, v3, vm0, $0xb8;
	[tilespmem:$0x10200] =	vst v63  }
0x13d: {  	v3 =	vld [tilespmem:$0x130];
	_ =	sdelay $0x4  }
0x13e: {  	v51 =	vshll.u32 v3, $0x2  }
0x13f: {  	v3 =	vand.u32 $0x7, v3;
	v4 =	vand.u32 $0xFFFFFFE0, v51  }
0x140: {  	v3 =	vor.u32 v3, v4  }
0x141: {  	v4 =	vperm.xlane v3, v0;
	_ =	sdelay $0x1  }
0x142: {  	v4 =	vadd.s32 v1, v4;
	_ =	sdelay $0x1  }
0x143: {  	v3 =	vperm.xlane v3, v2;
	_ =	sdelay $0x1  }
0x144: {  	v3 =	vadd.s32 v1, v3  }
0x145: {  	[tilespmem:s19], [sflag:$0x1] =	stream.indirect_vreg.gather [hbm4b:s4+s2], $0x80, v4, vm0, $0xb8;
	[tilespmem:$0x10200] =	vst v63  }
0x146: {  	_ = 	snop  }
0x147: {  	[tilespmem:s20], [sflag:$0x1] =	stream.indirect_vreg.gather [hbm4b:s5+s2], $0x80, v4, vm0, $0xb8;
	[tilespmem:$0x10200] =	vst v63  }
0x148: {  	_ = 	snop  }
0x149: {  	[tilespmem:s21], [sflag:$0x1] =	stream.indirect_vreg.gather [hbm4b:s4+s2], $0x80, v3, vm0, $0xb8;
	[tilespmem:$0x10200] =	vst v63  }
0x14a: {  	s31 =	simm.s32 $0x7A00  }
0x14b: {  	[tilespmem:s31], [sflag:$0x1] =	stream.indirect_vreg.gather [hbm4b:s5+s2], $0x80, v3, vm0, $0xb8;
	[tilespmem:$0x10200] =	vst v63  }
0x14c: {  	v3 =	vld [tilespmem:$0x140];
	_ =	sdelay $0x4  }
0x14d: {  	v52 =	vshll.u32 v3, $0x2  }
0x14e: {  	v3 =	vand.u32 $0x7, v3;
	v4 =	vand.u32 $0xFFFFFFE0, v52  }
0x14f: {  	v3 =	vor.u32 v3, v4  }
0x150: {  	v4 =	vperm.xlane v3, v0;
	_ =	sdelay $0x1  }
0x151: {  	v4 =	vadd.s32 v1, v4;
	_ =	sdelay $0x1  }
0x152: {  	v3 =	vperm.xlane v3, v2;
	_ =	sdelay $0x1  }
0x153: {  	v3 =	vadd.s32 v1, v3  }
0x154: {  	[tilespmem:s0], [sflag:$0x1] =	stream.indirect_vreg.gather [hbm4b:s4+s2], $0x80, v4, vm0, $0xb8;
	[tilespmem:$0x10200] =	vst v63  }
0x155: {  	_ = 	snop  }
0x156: {  	[tilespmem:s1], [sflag:$0x1] =	stream.indirect_vreg.gather [hbm4b:s5+s2], $0x80, v4, vm0, $0xb8;
	[tilespmem:$0x10200] =	vst v63  }
0x157: {  	_ = 	snop  }
0x158: {  	[tilespmem:s3], [sflag:$0x1] =	stream.indirect_vreg.gather [hbm4b:s4+s2], $0x80, v3, vm0, $0xb8;
	[tilespmem:$0x10200] =	vst v63  }
0x159: {  	_ = 	snop  }
0x15a: {  	[tilespmem:s10], [sflag:$0x1] =	stream.indirect_vreg.gather [hbm4b:s5+s2], $0x80, v3, vm0, $0xb8;
	[tilespmem:$0x10200] =	vst v63  }
0x15b: {  	v3 =	vld [tilespmem:$0x150];
	_ =	sdelay $0x4  }
0x15c: {  	v53 =	vshll.u32 v3, $0x2  }
0x15d: {  	v3 =	vand.u32 $0x7, v3;
	v4 =	vand.u32 $0xFFFFFFE0, v53  }
0x15e: {  	v3 =	vor.u32 v3, v4  }
0x15f: {  	v4 =	vperm.xlane v3, v0;
	_ =	sdelay $0x1  }
0x160: {  	v4 =	vadd.s32 v1, v4;
	_ =	sdelay $0x1  }
0x161: {  	v3 =	vperm.xlane v3, v2;
	_ =	sdelay $0x1  }
0x162: {  	v3 =	vadd.s32 v1, v3  }
0x163: {  	[tilespmem:s7], [sflag:$0x1] =	stream.indirect_vreg.gather [hbm4b:s4+s2], $0x80, v4, vm0, $0xb8;
	[tilespmem:$0x10200] =	vst v63  }
0x164: {  	_ = 	snop  }
0x165: {  	[tilespmem:s8], [sflag:$0x1] =	stream.indirect_vreg.gather [hbm4b:s5+s2], $0x80, v4, vm0, $0xb8;
	[tilespmem:$0x10200] =	vst v63  }
0x166: {  	_ = 	snop  }
0x167: {  	[tilespmem:s9], [sflag:$0x1] =	stream.indirect_vreg.gather [hbm4b:s4+s2], $0x80, v3, vm0, $0xb8;
	[tilespmem:$0x10200] =	vst v63  }
0x168: {  	s26 =	simm.s32 $0xBA00  }
0x169: {  	[tilespmem:s26], [sflag:$0x1] =	stream.indirect_vreg.gather [hbm4b:s5+s2], $0x80, v3, vm0, $0xb8;
	[tilespmem:$0x10200] =	vst v63  }
0x16a: {  	v3 =	vld [tilespmem:$0x160];
	_ =	sdelay $0x4  }
0x16b: {  	v54 =	vshll.u32 v3, $0x2  }
0x16c: {  	v3 =	vand.u32 $0x7, v3;
	v4 =	vand.u32 $0xFFFFFFE0, v54  }
0x16d: {  	v3 =	vor.u32 v3, v4  }
0x16e: {  	v4 =	vperm.xlane v3, v0;
	_ =	sdelay $0x1  }
0x16f: {  	v4 =	vadd.s32 v1, v4;
	_ =	sdelay $0x1  }
0x170: {  	v3 =	vperm.xlane v3, v2;
	_ =	sdelay $0x1  }
0x171: {  	s28 =	simm.s32 $0xC200;
	v3 =	vadd.s32 v1, v3  }
0x172: {  	[tilespmem:s28], [sflag:$0x1] =	stream.indirect_vreg.gather [hbm4b:s4+s2], $0x80, v4, vm0, $0xb8;
	[tilespmem:$0x10200] =	vst v63  }
0x173: {  	s31 =	simm.s32 $0xCA00  }
0x174: {  	[tilespmem:s31], [sflag:$0x1] =	stream.indirect_vreg.gather [hbm4b:s5+s2], $0x80, v4, vm0, $0xb8;
	[tilespmem:$0x10200] =	vst v63  }
0x175: {  	s26 =	simm.s32 $0xD200  }
0x176: {  	[tilespmem:s26], [sflag:$0x1] =	stream.indirect_vreg.gather [hbm4b:s4+s2], $0x80, v3, vm0, $0xb8;
	[tilespmem:$0x10200] =	vst v63  }
0x177: {  	s26 =	simm.s32 $0xDA00  }
0x178: {  	[tilespmem:s26], [sflag:$0x1] =	stream.indirect_vreg.gather [hbm4b:s5+s2], $0x80, v3, vm0, $0xb8;
	[tilespmem:$0x10200] =	vst v63  }
0x179: {  	v3 =	vld [tilespmem:$0x170];
	_ =	sdelay $0x4  }
0x17a: {  	v55 =	vshll.u32 v3, $0x2  }
0x17b: {  	v3 =	vand.u32 $0x7, v3;
	v4 =	vand.u32 $0xFFFFFFE0, v55  }
0x17c: {  	v3 =	vor.u32 v3, v4  }
0x17d: {  	v4 =	vperm.xlane v3, v0;
	_ =	sdelay $0x1  }
0x17e: {  	v4 =	vadd.s32 v1, v4;
	_ =	sdelay $0x1  }
0x17f: {  	v3 =	vperm.xlane v3, v2;
	_ =	sdelay $0x1  }
0x180: {  	s29 =	simm.s32 $0xE200;
	v3 =	vadd.s32 v1, v3  }
0x181: {  	[tilespmem:s29], [sflag:$0x1] =	stream.indirect_vreg.gather [hbm4b:s4+s2], $0x80, v4, vm0, $0xb8;
	[tilespmem:$0x10200] =	vst v63  }
0x182: {  	s23 =	simm.s32 $0xEA00  }
0x183: {  	[tilespmem:s23], [sflag:$0x1] =	stream.indirect_vreg.gather [hbm4b:s5+s2], $0x80, v4, vm0, $0xb8;
	[tilespmem:$0x10200] =	vst v63  }
0x184: {  	s30 =	simm.s32 $0xF200  }
0x185: {  	[tilespmem:s30], [sflag:$0x1] =	stream.indirect_vreg.gather [hbm4b:s4+s2], $0x80, v3, vm0, $0xb8;
	[tilespmem:$0x10200] =	vst v63  }
0x186: {  	s30 =	simm.s32 $0xFA00  }
0x187: {  	[tilespmem:s30], [sflag:$0x1] =	stream.indirect_vreg.gather [hbm4b:s5+s2], $0x80, v3, vm0, $0xb8;
	[tilespmem:$0x10200] =	vst v63  }
0x188: {  	_ =	swait.ge [sflag:s14], $0x10000  }
0x189: {  	[sflag:s14] =	ssyncset.done $0x0  }
0x18a: {  	s16 =	rddreg [dreg:$0x6];
	[sflag:s14] =	ssyncadd.s32 $0xFFFF0000  }
0x18b: {  	[hbm4b:s16+s2] =	stream.linear.scatter [tilespmem:s24], [sflag:$0x2], $0x10000, $0x38;
	[tilespmem:$0x10200] =	vst v63  }
0x18c: {  	_ =	swait.ge [sflag:s15], $0x10000  }
0x18d: {  	[sflag:s15] =	ssyncset.done $0x0  }
0x18e: {  	[sflag:s15] =	ssyncadd.s32 $0xFFFF0000  }
0x18f: {  	v3 =	vld [tilespmem:$0x180];
	_ =	sdelay $0x4  }
0x190: {  	v56 =	vshll.u32 v3, $0x2  }
0x191: {  	v3 =	vand.u32 $0x7, v3;
	v4 =	vand.u32 $0xFFFFFFE0, v56  }
0x192: {  	v3 =	vor.u32 v3, v4  }
0x193: {  	v4 =	vperm.xlane v3, v0;
	_ =	sdelay $0x1  }
0x194: {  	v4 =	vadd.s32 v1, v4;
	_ =	sdelay $0x1  }
0x195: {  	v3 =	vperm.xlane v3, v2;
	_ =	sdelay $0x1  }
0x196: {  	v3 =	vadd.s32 v1, v3  }
0x197: {  	[tilespmem:s24], [sflag:$0x1] =	stream.indirect_vreg.gather [hbm4b:s4+s2], $0x80, v4, vm0, $0xb8;
	[tilespmem:$0x10200] =	vst v63  }
0x198: {  	s25 =	simm.s32 $0xA00  }
0x199: {  	[tilespmem:s25], [sflag:$0x1] =	stream.indirect_vreg.gather [hbm4b:s5+s2], $0x80, v4, vm0, $0xb8;
	[tilespmem:$0x10200] =	vst v63  }
0x19a: {  	s22 =	simm.s32 $0x1200  }
0x19b: {  	[tilespmem:s22], [sflag:$0x1] =	stream.indirect_vreg.gather [hbm4b:s4+s2], $0x80, v3, vm0, $0xb8;
	[tilespmem:$0x10200] =	vst v63  }
0x19c: {  	s18 =	simm.s32 $0x1A00  }
0x19d: {  	[tilespmem:s18], [sflag:$0x1] =	stream.indirect_vreg.gather [hbm4b:s5+s2], $0x80, v3, vm0, $0xb8;
	[tilespmem:$0x10200] =	vst v63  }
0x19e: {  	v3 =	vld [tilespmem:$0x190];
	_ =	sdelay $0x4  }
0x19f: {  	v57 =	vshll.u32 v3, $0x2  }
0x1a0: {  	v3 =	vand.u32 $0x7, v3;
	v4 =	vand.u32 $0xFFFFFFE0, v57  }
0x1a1: {  	v3 =	vor.u32 v3, v4  }
0x1a2: {  	v4 =	vperm.xlane v3, v0;
	_ =	sdelay $0x1  }
0x1a3: {  	v4 =	vadd.s32 v1, v4;
	_ =	sdelay $0x1  }
0x1a4: {  	v3 =	vperm.xlane v3, v2;
	_ =	sdelay $0x1  }
0x1a5: {  	s18 =	simm.s32 $0x2200;
	v3 =	vadd.s32 v1, v3  }
0x1a6: {  	[tilespmem:s18], [sflag:$0x1] =	stream.indirect_vreg.gather [hbm4b:s4+s2], $0x80, v4, vm0, $0xb8;
	[tilespmem:$0x10200] =	vst v63  }
0x1a7: {  	s22 =	simm.s32 $0x2A00  }
0x1a8: {  	[tilespmem:s22], [sflag:$0x1] =	stream.indirect_vreg.gather [hbm4b:s5+s2], $0x80, v4, vm0, $0xb8;
	[tilespmem:$0x10200] =	vst v63  }
0x1a9: {  	s25 =	simm.s32 $0x3200  }
0x1aa: {  	[tilespmem:s25], [sflag:$0x1] =	stream.indirect_vreg.gather [hbm4b:s4+s2], $0x80, v3, vm0, $0xb8;
	[tilespmem:$0x10200] =	vst v63  }
0x1ab: {  	s18 =	simm.s32 $0x3A00  }
0x1ac: {  	[tilespmem:s18], [sflag:$0x1] =	stream.indirect_vreg.gather [hbm4b:s5+s2], $0x80, v3, vm0, $0xb8;
	[tilespmem:$0x10200] =	vst v63  }
0x1ad: {  	v3 =	vld [tilespmem:$0x1A0];
	_ =	sdelay $0x4  }
0x1ae: {  	v58 =	vshll.u32 v3, $0x2  }
0x1af: {  	v3 =	vand.u32 $0x7, v3;
	v4 =	vand.u32 $0xFFFFFFE0, v58  }
0x1b0: {  	v3 =	vor.u32 v3, v4  }
0x1b1: {  	v4 =	vperm.xlane v3, v0;
	_ =	sdelay $0x1  }
0x1b2: {  	v4 =	vadd.s32 v1, v4;
	_ =	sdelay $0x1  }
0x1b3: {  	v3 =	vperm.xlane v3, v2;
	_ =	sdelay $0x1  }
0x1b4: {  	s11 =	simm.s32 $0x4200;
	v3 =	vadd.s32 v1, v3  }
0x1b5: {  	[tilespmem:s11], [sflag:$0x1] =	stream.indirect_vreg.gather [hbm4b:s4+s2], $0x80, v4, vm0, $0xb8;
	[tilespmem:$0x10200] =	vst v63  }
0x1b6: {  	s12 =	simm.s32 $0x4A00  }
0x1b7: {  	[tilespmem:s12], [sflag:$0x1] =	stream.indirect_vreg.gather [hbm4b:s5+s2], $0x80, v4, vm0, $0xb8;
	[tilespmem:$0x10200] =	vst v63  }
0x1b8: {  	s13 =	simm.s32 $0x5200  }
0x1b9: {  	[tilespmem:s13], [sflag:$0x1] =	stream.indirect_vreg.gather [hbm4b:s4+s2], $0x80, v3, vm0, $0xb8;
	[tilespmem:$0x10200] =	vst v63  }
0x1ba: {  	s17 =	simm.s32 $0x5A00  }
0x1bb: {  	[tilespmem:s17], [sflag:$0x1] =	stream.indirect_vreg.gather [hbm4b:s5+s2], $0x80, v3, vm0, $0xb8;
	[tilespmem:$0x10200] =	vst v63  }
0x1bc: {  	v3 =	vld [tilespmem:$0x1B0];
	_ =	sdelay $0x4  }
0x1bd: {  	v59 =	vshll.u32 v3, $0x2  }
0x1be: {  	v3 =	vand.u32 $0x7, v3;
	v4 =	vand.u32 $0xFFFFFFE0, v59  }
0x1bf: {  	v3 =	vor.u32 v3, v4  }
0x1c0: {  	v4 =	vperm.xlane v3, v0;
	_ =	sdelay $0x1  }
0x1c1: {  	v4 =	vadd.s32 v1, v4;
	_ =	sdelay $0x1  }
0x1c2: {  	v3 =	vperm.xlane v3, v2;
	_ =	sdelay $0x1  }
0x1c3: {  	s19 =	simm.s32 $0x6200;
	v3 =	vadd.s32 v1, v3  }
0x1c4: {  	[tilespmem:s19], [sflag:$0x1] =	stream.indirect_vreg.gather [hbm4b:s4+s2], $0x80, v4, vm0, $0xb8;
	[tilespmem:$0x10200] =	vst v63  }
0x1c5: {  	s20 =	simm.s32 $0x6A00  }
0x1c6: {  	[tilespmem:s20], [sflag:$0x1] =	stream.indirect_vreg.gather [hbm4b:s5+s2], $0x80, v4, vm0, $0xb8;
	[tilespmem:$0x10200] =	vst v63  }
0x1c7: {  	s21 =	simm.s32 $0x7200  }
0x1c8: {  	[tilespmem:s21], [sflag:$0x1] =	stream.indirect_vreg.gather [hbm4b:s4+s2], $0x80, v3, vm0, $0xb8;
	[tilespmem:$0x10200] =	vst v63  }
0x1c9: {  	s21 =	simm.s32 $0x7A00  }
0x1ca: {  	[tilespmem:s21], [sflag:$0x1] =	stream.indirect_vreg.gather [hbm4b:s5+s2], $0x80, v3, vm0, $0xb8;
	[tilespmem:$0x10200] =	vst v63  }
0x1cb: {  	v3 =	vld [tilespmem:$0x1C0];
	_ =	sdelay $0x4  }
0x1cc: {  	v60 =	vshll.u32 v3, $0x2  }
0x1cd: {  	v3 =	vand.u32 $0x7, v3;
	v4 =	vand.u32 $0xFFFFFFE0, v60  }
0x1ce: {  	v3 =	vor.u32 v3, v4  }
0x1cf: {  	v4 =	vperm.xlane v3, v0;
	_ =	sdelay $0x1  }
0x1d0: {  	v4 =	vadd.s32 v1, v4;
	_ =	sdelay $0x1  }
0x1d1: {  	v3 =	vperm.xlane v3, v2;
	_ =	sdelay $0x1  }
0x1d2: {  	s0 =	simm.s32 $0x8200;
	v3 =	vadd.s32 v1, v3  }
0x1d3: {  	[tilespmem:s0], [sflag:$0x1] =	stream.indirect_vreg.gather [hbm4b:s4+s2], $0x80, v4, vm0, $0xb8;
	[tilespmem:$0x10200] =	vst v63  }
0x1d4: {  	s1 =	simm.s32 $0x8A00  }
0x1d5: {  	[tilespmem:s1], [sflag:$0x1] =	stream.indirect_vreg.gather [hbm4b:s5+s2], $0x80, v4, vm0, $0xb8;
	[tilespmem:$0x10200] =	vst v63  }
0x1d6: {  	s3 =	simm.s32 $0x9200  }
0x1d7: {  	[tilespmem:s3], [sflag:$0x1] =	stream.indirect_vreg.gather [hbm4b:s4+s2], $0x80, v3, vm0, $0xb8;
	[tilespmem:$0x10200] =	vst v63  }
0x1d8: {  	s10 =	simm.s32 $0x9A00  }
0x1d9: {  	[tilespmem:s10], [sflag:$0x1] =	stream.indirect_vreg.gather [hbm4b:s5+s2], $0x80, v3, vm0, $0xb8;
	[tilespmem:$0x10200] =	vst v63  }
0x1da: {  	v3 =	vld [tilespmem:$0x1D0];
	_ =	sdelay $0x4  }
0x1db: {  	v61 =	vshll.u32 v3, $0x2  }
0x1dc: {  	v3 =	vand.u32 $0x7, v3;
	v4 =	vand.u32 $0xFFFFFFE0, v61  }
0x1dd: {  	v3 =	vor.u32 v3, v4  }
0x1de: {  	v4 =	vperm.xlane v3, v0;
	_ =	sdelay $0x1  }
0x1df: {  	v4 =	vadd.s32 v1, v4;
	_ =	sdelay $0x1  }
0x1e0: {  	v3 =	vperm.xlane v3, v2;
	_ =	sdelay $0x1  }
0x1e1: {  	s7 =	simm.s32 $0xA200;
	v3 =	vadd.s32 v1, v3  }
0x1e2: {  	[tilespmem:s7], [sflag:$0x1] =	stream.indirect_vreg.gather [hbm4b:s4+s2], $0x80, v4, vm0, $0xb8;
	[tilespmem:$0x10200] =	vst v63  }
0x1e3: {  	s8 =	simm.s32 $0xAA00  }
0x1e4: {  	[tilespmem:s8], [sflag:$0x1] =	stream.indirect_vreg.gather [hbm4b:s5+s2], $0x80, v4, vm0, $0xb8;
	[tilespmem:$0x10200] =	vst v63  }
0x1e5: {  	s9 =	simm.s32 $0xB200  }
0x1e6: {  	[tilespmem:s9], [sflag:$0x1] =	stream.indirect_vreg.gather [hbm4b:s4+s2], $0x80, v3, vm0, $0xb8;
	[tilespmem:$0x10200] =	vst v63  }
0x1e7: {  	s22 =	simm.s32 $0xBA00  }
0x1e8: {  	[tilespmem:s22], [sflag:$0x1] =	stream.indirect_vreg.gather [hbm4b:s5+s2], $0x80, v3, vm0, $0xb8;
	[tilespmem:$0x10200] =	vst v63  }
0x1e9: {  	v3 =	vld [tilespmem:$0x1E0];
	_ =	sdelay $0x4  }
0x1ea: {  	v62 =	vshll.u32 v3, $0x2  }
0x1eb: {  	v3 =	vand.u32 $0x7, v3;
	v4 =	vand.u32 $0xFFFFFFE0, v62  }
0x1ec: {  	v3 =	vor.u32 v3, v4  }
0x1ed: {  	v4 =	vperm.xlane v3, v0;
	_ =	sdelay $0x1  }
0x1ee: {  	v4 =	vadd.s32 v1, v4;
	_ =	sdelay $0x1  }
0x1ef: {  	v3 =	vperm.xlane v3, v2;
	_ =	sdelay $0x1  }
0x1f0: {  	s28 =	simm.s32 $0xC200;
	v3 =	vadd.s32 v1, v3  }
0x1f1: {  	[tilespmem:s28], [sflag:$0x1] =	stream.indirect_vreg.gather [hbm4b:s4+s2], $0x80, v4, vm0, $0xb8;
	[tilespmem:$0x10200] =	vst v63  }
0x1f2: {  	s31 =	simm.s32 $0xCA00  }
0x1f3: {  	[tilespmem:s31], [sflag:$0x1] =	stream.indirect_vreg.gather [hbm4b:s5+s2], $0x80, v4, vm0, $0xb8;
	[tilespmem:$0x10200] =	vst v63  }
0x1f4: {  	s25 =	simm.s32 $0xD200  }
0x1f5: {  	[tilespmem:s25], [sflag:$0x1] =	stream.indirect_vreg.gather [hbm4b:s4+s2], $0x80, v3, vm0, $0xb8;
	[tilespmem:$0x10200] =	vst v63  }
0x1f6: {  	s28 =	simm.s32 $0xDA00  }
0x1f7: {  	[tilespmem:s28], [sflag:$0x1] =	stream.indirect_vreg.gather [hbm4b:s5+s2], $0x80, v3, vm0, $0xb8;
	[tilespmem:$0x10200] =	vst v63  }
0x1f8: {  	v3 =	vld [tilespmem:$0x1F0];
	_ =	sdelay $0x4  }
0x1f9: {  	v63 =	vshll.u32 v3, $0x2  }
0x1fa: {  	v3 =	vand.u32 $0x7, v3;
	v4 =	vand.u32 $0xFFFFFFE0, v63  }
0x1fb: {  	v3 =	vor.u32 v3, v4  }
0x1fc: {  	v4 =	vperm.xlane v3, v0;
	_ =	sdelay $0x1  }
0x1fd: {  	v4 =	vadd.s32 v1, v4;
	_ =	sdelay $0x1  }
0x1fe: {  	v3 =	vperm.xlane v3, v2;
	_ =	sdelay $0x1  }
0x1ff: {  	s26 =	simm.s32 $0xE200;
	v3 =	vadd.s32 v1, v3  }
0x200: {  	[tilespmem:s26], [sflag:$0x1] =	stream.indirect_vreg.gather [hbm4b:s4+s2], $0x80, v4, vm0, $0xb8;
	[tilespmem:$0x10200] =	vst v63  }
0x201: {  	s23 =	simm.s32 $0xEA00  }
0x202: {  	[tilespmem:s23], [sflag:$0x1] =	stream.indirect_vreg.gather [hbm4b:s5+s2], $0x80, v4, vm0, $0xb8;
	[tilespmem:$0x10200] =	vst v63  }
0x203: {  	s29 =	simm.s32 $0xF200  }
0x204: {  	[tilespmem:s29], [sflag:$0x1] =	stream.indirect_vreg.gather [hbm4b:s4+s2], $0x80, v3, vm0, $0xb8;
	[tilespmem:$0x10200] =	vst v63  }
0x205: {  	s30 =	simm.s32 $0xFA00  }
0x206: {  	[tilespmem:s30], [sflag:$0x1] =	stream.indirect_vreg.gather [hbm4b:s5+s2], $0x80, v3, vm0, $0xb8;
	[tilespmem:$0x10200] =	vst v63  }
0x207: {  	_ =	swait.ge [sflag:s14], $0x10000  }
0x208: {  	p0 =	sne.s32 s6, $0x1;
	[sflag:s14] =	ssyncset.done $0x0  }
.Ltmp0:
0x209: {  	s31 =	rddreg [dreg:$0x7];
	[sflag:s14] =	ssyncadd.s32 $0xFFFF0000;
	(pc) =	sbr.rel @p0 .LBB2_1-.Ltmp0, $4  }
0x20a: {  	[hbm4b:s31+s2] =	stream.linear.scatter [tilespmem:s24], [sflag:$0x2], $0x10000, $0x38;
	[tilespmem:$0x10200] =	vst v63  }
0x20b: {  	_ =	swait.ge [sflag:s15], $0x10000  }
0x20c: {  	[sflag:s15] =	ssyncset.done $0x0  }
0x20d: {  	s6 =	sadd.s32 $0xFFFFFFFF, s6;
	[sflag:s15] =	ssyncadd.s32 $0xFFFF0000  }
0x20e: {  	_ =	sfence.sel $0x180000  }
0x20f: {  	[bflag:$0x0] =	sbarrier.arrive $0xFFFF  }
0x210: {  	_ =	strace $0x90000047  }
0x211: {  	s0 =	stileid.u32;
	[bflag:$0x2] =	sbarrier.arrive $0xFFFF  }
0x212: {  	p0 =	sne.s32 s0, $0x0;
	s0 =	rddreg [dreg:$0x3]  }
0x213: {  	s0 =	sadd.s32 @!p0 $0x100000, s0  }
0x214: {  	[sflag:s0] =	ssyncadd.tile.s32 @!p0 $0x1;
	_ =	shalt  }
.Lfunc_end2:
_tile_overlayer_lowered:
.L_overlay_start_2:
0x215: {  	(tag) =	ssettag $0x2  }
0x216: {  	s0 =	rddreg [dreg:$0x0];
	s2 =	stileid.u32  }
0x217: {  	s1 =	rddreg [dreg:$0x1];
	p0 =	sne.s32 s2, $0x0  }
0x218: {  	s3 =	rddreg [dreg:$0x2];
	[bflag:$0x3] =	sbarrier.arrive $0xFFFF;
	s2 =	simm.s32 @!p0 $0x1C03  }
0x219: {  	[timem:s3], [sflag:s2] =	dma.local @!p0 [hbm:s0], s1  }
0x21a: {  	s0 =	simm.s32 @!p0 $0x3  }
0x21b: {  	_ =	swait.ge @!p0 [sflag:s0], s1  }
0x21c: {  	s1 =	ssub.s32 @!p0 $0x0, s1;
	[sflag:s0] =	ssyncset.done @!p0 $0x0  }
0x21d: {  	[sflag:s0] =	ssyncadd.s32 @!p0 s1  }
0x21e: {  	[bflag:$0x3] =	sbarrier.arrive $0xFFFF  }
0x21f: {  	_ =	shalt  }

</sc_bundles>
